<compile_context>
chip_gen: v7x
topology: tpu7x:2x2x1
jax: 0.10.2.dev20260603
libtpu: 0.0.44.dev20260713+nightly
codegen_flags: <defaults>
</compile_context>

<pallas_src>
import dataclasses
import functools

import jax
import jax.numpy as jnp
from jax import lax
from jax.experimental import pallas as pl
from jax.experimental.pallas import tpu as pltpu
from jax.experimental.pallas import tpu_sc as plsc

_NUM_SC_CORES = 2
_NUM_SC_SUBCORES = 16
_LANES = 16


def _vq_tc_body(z_ref, w_ref, idx_ref, loss_ref):
    nb = z_ref.shape[0]
    w = w_ref[...]
    ncodes = w.shape[0]

    wsq_h = jnp.sum(w * w, axis=1, keepdims=True) * 0.5
    loss_acc = jnp.float32(0.0)

    for b in range(nb):
        z = z_ref[b]
        zsq_h = jnp.sum(z * z, axis=0, keepdims=True) * 0.5
        mm = lax.dot_general(
            w, z, (((1,), (0,)), ((), ())),
            preferred_element_type=jnp.float32)
        d = (zsq_h + wsq_h) - mm

        m = jnp.min(d, axis=0, keepdims=True)
        iota = lax.broadcasted_iota(jnp.int32, d.shape, 0)
        cand = jnp.where(d == m, iota, ncodes)
        idx = jnp.min(cand, axis=0)

        idx_ref[b, 0] = idx
        loss_acc = loss_acc + jnp.sum(m)

    loss_ref[...] = loss_acc.reshape(1, 1, 1)


def _make_sc_gather(B, C, HW, ncodes):
    wpb = (_NUM_SC_CORES * _NUM_SC_SUBCORES) // B
    chw = C // wpb
    mesh = plsc.VectorSubcoreMesh(
        core_axis_name="c", subcore_axis_name="s",
        num_cores=_NUM_SC_CORES, num_subcores=_NUM_SC_SUBCORES)

    sc_cp = pltpu.CompilerParams()
    if "needs_layout_passes" in pltpu.CompilerParams.__dataclass_fields__:
        sc_cp = dataclasses.replace(sc_cp, needs_layout_passes=False)

    @functools.partial(
        pl.kernel, mesh=mesh,
        compiler_params=sc_cp,
        out_type=jax.ShapeDtypeStruct((B, C, HW), jnp.float32),
        scratch_types=[
            pltpu.VMEM((chw, ncodes), jnp.float32),
            pltpu.VMEM((HW,), jnp.int32),
            pltpu.VMEM((chw, HW), jnp.float32),
        ],
    )
    def sc_gather(wt_hbm, idx_hbm, q_hbm, wt_v, idx_v, out_v):
        wid = lax.axis_index("s") * _NUM_SC_CORES + lax.axis_index("c")
        b = wid // wpb
        c0 = (wid % wpb) * chw
        pltpu.sync_copy(wt_hbm.at[pl.ds(c0, chw)], wt_v)
        pltpu.sync_copy(idx_hbm.at[b], idx_v)

        def body(k, carry):
            ii = idx_v[pl.ds(k * _LANES, _LANES)]
            for c in range(chw):
                cc = jnp.full((_LANES,), c, jnp.int32)
                out_v[c, pl.ds(k * _LANES, _LANES)] = plsc.load_gather(
                    wt_v, [cc, ii])
            return carry

        lax.fori_loop(0, HW // _LANES, body, 0)
        pltpu.sync_copy(out_v, q_hbm.at[b, pl.ds(c0, chw)])

    return sc_gather


def kernel(z, W):
    B, C, H, Wsp = z.shape
    HW = H * Wsp
    ncodes = W.shape[0]
    zr = z.reshape(B, C, HW)

    NB = 4
    idx3, lsums = pl.pallas_call(
        _vq_tc_body,
        grid=(B // NB,),
        in_specs=[
            pl.BlockSpec((NB, C, HW), lambda b: (b, 0, 0)),
            pl.BlockSpec((ncodes, C), lambda b: (0, 0)),
        ],
        out_specs=[
            pl.BlockSpec((NB, 1, HW), lambda b: (b, 0, 0)),
            pl.BlockSpec((1, 1, 1), lambda b: (b, 0, 0)),
        ],
        out_shape=[
            jax.ShapeDtypeStruct((B, 1, HW), jnp.int32),
            jax.ShapeDtypeStruct((B // NB, 1, 1), jnp.float32),
        ],
        compiler_params=pltpu.CompilerParams(
            dimension_semantics=("parallel",),
        ),
    )(zr, W)

    q = _make_sc_gather(B, C, HW, ncodes)(W.T, idx3.reshape(B, HW))

    loss = 2.0 * jnp.sum(lsums) / (B * C * HW)
    q_out = q.reshape(B, C, H, Wsp)
    idx_out = idx3.reshape(B, H, Wsp)
    return (q_out, loss, loss, idx_out)

# --- scband reference (transcript-rebuilt; emitter-appended) ---
"""Pipeline reference for scband-vector-quantizer-73280732004366 (READ-ONLY COPY).

The authoritative reference and input builder live on the scoring server;
editing this copy changes nothing except your own understanding.
"""

import jax, jax.numpy as jnp
import numpy as np

NUM_EMBEDDINGS = 1024
EMBEDDING_DIM = 64
BETA = 0.25


def setup_inputs(seed: int = 0) -> dict:
    key = jax.random.key(seed)
    k1, k2 = jax.random.split(key)
    z = jax.random.normal(k1, (16, 64, 32, 32), dtype=jnp.float32)
    W = jax.random.uniform(k2, (NUM_EMBEDDINGS, EMBEDDING_DIM),
                           minval=-1.0 / NUM_EMBEDDINGS,
                           maxval=1.0 / NUM_EMBEDDINGS,
                           dtype=jnp.float32)
    return {"z": z, "W": W}


def reference(z, W):
    # z: [B, C, H, W_sp] -> [B, H, W_sp, C]
    zp = jnp.transpose(z, (0, 2, 3, 1))
    zf = zp.reshape(-1, EMBEDDING_DIM)
    d = (jnp.sum(zf ** 2, axis=1, keepdims=True)
         + jnp.sum(W ** 2, axis=1)
         - 2.0 * jnp.matmul(zf, W.T))
    encoding_indices = jnp.argmin(d, axis=1)
    encodings = jax.nn.one_hot(encoding_indices, NUM_EMBEDDINGS, dtype=jnp.float32)
    quantized = jnp.matmul(encodings, W)
    quantized = quantized.reshape(zp.shape)
    commitment_loss = jnp.mean((jax.lax.stop_gradient(quantized) - zp) ** 2)
    codebook_loss = jnp.mean((quantized - jax.lax.stop_gradient(zp)) ** 2)
    quantized_st = zp + jax.lax.stop_gradient(quantized - zp)
    q_out = jnp.transpose(quantized_st, (0, 3, 1, 2))
    idx_out = encoding_indices.reshape(zp.shape[0], zp.shape[1], zp.shape[2])
    return (q_out, codebook_loss, commitment_loss, idx_out)

if __name__ == "__main__":
    import jax
    _d = setup_inputs()
    print(jax.jit(kernel)(*tuple(_d.values())))

</pallas_src>

<mosaic_0001>
#map = affine_map<(d0, d1) -> (0, 0)>
#map1 = affine_map<(d0, d1) -> (0, 0, 0)>
module attributes {stable_mosaic.version = 14 : i64} {
  func.func @sc_gather(%arg0: i32, %arg1: i32, %arg2: memref<64x1024xf32, #tpu.memory_space<hbm>>, %arg3: memref<16x1024xi32, #tpu.memory_space<hbm>>, %arg4: memref<16x64x1024xf32, #tpu.memory_space<hbm>>, %arg5: memref<32x1024xf32, #tpu.memory_space<vmem>>, %arg6: memref<1024xi32, #tpu.memory_space<vmem>>, %arg7: memref<32x1024xf32, #tpu.memory_space<vmem>>) attributes {dimension_semantics = [#tpu.dimension_semantics<core_parallel>, #tpu.dimension_semantics<subcore_parallel>], iteration_bounds = array<i64: 2, 16>, scalar_prefetch = 0 : i64, scratch_operands = 3 : i64, tpu.core_type = #tpu.core_type<sc_vector_subcore>, window_params = [{transform_indices = #map}, {transform_indices = #map}, {transform_indices = #map1}]} {
    %mul3A = arith.constant 2 : i32
    %mul3A_0 = arith.muli %arg1, %mul3A : i32
    %add3A = arith.addi %mul3A_0, %arg0 : i32
    %jit3A = arith.constant 2 : i32
    %div3A = arith.divsi %add3A, %jit3A : i32
    %sign3A = arith.constant 0 : i32
    %sign3A_1 = arith.cmpi sgt, %add3A, %sign3A : i32
    %sign3A_2 = arith.extui %sign3A_1 : i1 to i32
    %sign3A_3 = arith.constant 0 : i32
    %sign3A_4 = arith.cmpi slt, %add3A, %sign3A_3 : i32
    %sign3A_5 = arith.extui %sign3A_4 : i1 to i32
    %sign3A_6 = arith.subi %sign3A_2, %sign3A_5 : i32
    %sign3A_7 = arith.constant 0 : i32
    %sign3A_8 = arith.cmpi sgt, %jit3A, %sign3A_7 : i32
    %sign3A_9 = arith.extui %sign3A_8 : i1 to i32
    %sign3A_10 = arith.constant 0 : i32
    %sign3A_11 = arith.cmpi slt, %jit3A, %sign3A_10 : i32
    %sign3A_12 = arith.extui %sign3A_11 : i1 to i32
    %sign3A_13 = arith.subi %sign3A_9, %sign3A_12 : i32
    %ne3A = arith.cmpi ne, %sign3A_6, %sign3A_13 : i32
    %rem3A = arith.remsi %add3A, %jit3A : i32
    %ne3A_14 = arith.constant 0 : i32
    %ne3A_15 = arith.cmpi ne, %rem3A, %ne3A_14 : i32
    %and3A = arith.andi %ne3A, %ne3A_15 : i1
    %sub3A = arith.constant 1 : i32
    %sub3A_16 = arith.subi %div3A, %sub3A : i32
    %select_n3A = arith.select %and3A, %sub3A_16, %div3A : i32
    %jit3A_17 = arith.constant 2 : i32
    %eq3A = arith.constant 0 : i32
    %eq3A_18 = arith.cmpi eq, %jit3A_17, %eq3A : i32
    %jit3A_19 = arith.constant 1 : i32
    %select_n3A_20 = arith.select %eq3A_18, %jit3A_19, %jit3A_17 : i32
    %rem3A_21 = arith.remsi %add3A, %select_n3A_20 : i32
    %ne3A_22 = arith.constant 0 : i32
    %ne3A_23 = arith.cmpi ne, %rem3A_21, %ne3A_22 : i32
    %lt3A = arith.constant 0 : i32
    %lt3A_24 = arith.cmpi slt, %rem3A_21, %lt3A : i32
    %lt3A_25 = arith.constant 0 : i32
    %lt3A_26 = arith.cmpi slt, %select_n3A_20, %lt3A_25 : i32
    %ne3A_27 = arith.xori %lt3A_24, %lt3A_26 : i1
    %and3A_28 = arith.andi %ne3A_27, %ne3A_23 : i1
    %add3A_29 = arith.addi %rem3A_21, %select_n3A_20 : i32
    %select_n3A_30 = arith.select %and3A_28, %add3A_29, %rem3A_21 : i32
    %mul3A_31 = arith.constant 32 : i32
    %mul3A_32 = arith.muli %select_n3A_30, %mul3A_31 : i32
    "tpu.region"() ({
      %run_scoped3A = tpu.sem_alloc : memref<!tpu.dma_semaphore, #tpu.memory_space<semaphore_mem>>
      %dma_start3A = arith.constant 0 : i32
      %dma_start3A_38 = tpu.memref_slice %arg2[%mul3A_32, %dma_start3A] : memref<64x1024xf32, #tpu.memory_space<hbm>> -> memref<32x1024xf32, #tpu.memory_space<hbm>>
      %dma_start3A_39 = arith.constant 0 : i32
      %dma_start3A_40 = tpu.memref_slice %arg2[%mul3A_32, %dma_start3A_39] : memref<64x1024xf32, #tpu.memory_space<hbm>> -> memref<32x1024xf32, #tpu.memory_space<hbm>>
      tpu.enqueue_dma source(%dma_start3A_40 : memref<32x1024xf32, #tpu.memory_space<hbm>>) target(%arg5 : memref<32x1024xf32, #tpu.memory_space<vmem>>) target_semaphore(%run_scoped3A : memref<!tpu.dma_semaphore, #tpu.memory_space<semaphore_mem>>)
      %dma_wait3A = arith.constant 0 : i32
      %dma_wait3A_41 = tpu.memref_slice %arg2[%mul3A_32, %dma_wait3A] : memref<64x1024xf32, #tpu.memory_space<hbm>> -> memref<32x1024xf32, #tpu.memory_space<hbm>>
      %dma_wait3A_42 = arith.constant 0 : i32
      %dma_wait3A_43 = tpu.memref_slice %arg2[%mul3A_32, %dma_wait3A_42] : memref<64x1024xf32, #tpu.memory_space<hbm>> -> memref<32x1024xf32, #tpu.memory_space<hbm>>
      tpu.wait_dma2 semaphore(%run_scoped3A : memref<!tpu.dma_semaphore, #tpu.memory_space<semaphore_mem>>) src(%dma_wait3A_43 : memref<32x1024xf32, #tpu.memory_space<hbm>>) dst(%arg5 : memref<32x1024xf32, #tpu.memory_space<vmem>>)
      tpu.yield
    }) : () -> ()
    "tpu.region"() ({
      %run_scoped3A = tpu.sem_alloc : memref<!tpu.dma_semaphore, #tpu.memory_space<semaphore_mem>>
      %dma_start3A = arith.constant 0 : i32
      %dma_start3A_38 = tpu.memref_slice %arg3[%select_n3A, %dma_start3A] : memref<16x1024xi32, #tpu.memory_space<hbm>> -> memref<1x1024xi32, #tpu.memory_space<hbm>>
      %dma_start3A_39 = tpu.memref_squeeze %dma_start3A_38 : memref<1x1024xi32, #tpu.memory_space<hbm>> -> memref<1024xi32, #tpu.memory_space<hbm>>
      %dma_start3A_40 = arith.constant 0 : i32
      %dma_start3A_41 = tpu.memref_slice %arg3[%select_n3A, %dma_start3A_40] : memref<16x1024xi32, #tpu.memory_space<hbm>> -> memref<1x1024xi32, #tpu.memory_space<hbm>>
      %dma_start3A_42 = tpu.memref_squeeze %dma_start3A_41 : memref<1x1024xi32, #tpu.memory_space<hbm>> -> memref<1024xi32, #tpu.memory_space<hbm>>
      tpu.enqueue_dma source(%dma_start3A_42 : memref<1024xi32, #tpu.memory_space<hbm>>) target(%arg6 : memref<1024xi32, #tpu.memory_space<vmem>>) target_semaphore(%run_scoped3A : memref<!tpu.dma_semaphore, #tpu.memory_space<semaphore_mem>>)
      %dma_wait3A = arith.constant 0 : i32
      %dma_wait3A_43 = tpu.memref_slice %arg3[%select_n3A, %dma_wait3A] : memref<16x1024xi32, #tpu.memory_space<hbm>> -> memref<1x1024xi32, #tpu.memory_space<hbm>>
      %dma_wait3A_44 = tpu.memref_squeeze %dma_wait3A_43 : memref<1x1024xi32, #tpu.memory_space<hbm>> -> memref<1024xi32, #tpu.memory_space<hbm>>
      %dma_wait3A_45 = arith.constant 0 : i32
      %dma_wait3A_46 = tpu.memref_slice %arg3[%select_n3A, %dma_wait3A_45] : memref<16x1024xi32, #tpu.memory_space<hbm>> -> memref<1x1024xi32, #tpu.memory_space<hbm>>
      %dma_wait3A_47 = tpu.memref_squeeze %dma_wait3A_46 : memref<1x1024xi32, #tpu.memory_space<hbm>> -> memref<1024xi32, #tpu.memory_space<hbm>>
      tpu.wait_dma2 semaphore(%run_scoped3A : memref<!tpu.dma_semaphore, #tpu.memory_space<semaphore_mem>>) src(%dma_wait3A_47 : memref<1024xi32, #tpu.memory_space<hbm>>) dst(%arg6 : memref<1024xi32, #tpu.memory_space<vmem>>)
      tpu.yield
    }) : () -> ()
    %scan3A = arith.constant 0 : i32
    %scan3A_33 = arith.constant 0 : i32
    %scan3A_34 = arith.constant 64 : i32
    %scan3A_35 = arith.addi %scan3A_33, %scan3A_34 : i32
    %scan3A_36 = arith.constant 1 : i32
    scf.for %scan3A_38 = %scan3A_33 to %scan3A_35 step %scan3A_36  : i32 {
      %mul3A_39 = arith.constant 16 : i32
      %mul3A_40 = arith.muli %scan3A_38, %mul3A_39 : i32
      %get3A = arith.index_cast %mul3A_40 : i32 to index
      %get3A_41 = tpu.vector_load %arg6[%get3A] {strides = array<i32>} : memref<1024xi32, #tpu.memory_space<vmem>>, vector<16xi32>,
      %broadcast_in_dim3A = arith.constant 0 : i32
      %broadcast_in_dim3A_42 = vector.broadcast %broadcast_in_dim3A : i32 to vector<16xi32>
      %gather3A = tpu.vector_load_idx %arg5[%broadcast_in_dim3A_42, %get3A_41] : memref<32x1024xf32, #tpu.memory_space<vmem>>[vector<16xi32>, vector<16xi32>], vector<16xf32>,
      %mul3A_43 = arith.constant 16 : i32
      %mul3A_44 = arith.muli %scan3A_38, %mul3A_43 : i32
      %swap3A = arith.constant 0 : i32
      %swap3A_45 = arith.index_cast %swap3A : i32 to index
      %swap3A_46 = arith.index_cast %mul3A_44 : i32 to index
      %swap3A_47 = tpu.vector_load %arg7[%swap3A_45, %swap3A_46] {strides = array<i32>} : memref<32x1024xf32, #tpu.memory_space<vmem>>, vector<16xf32>,
      tpu.vector_store %arg7[%swap3A_45, %swap3A_46], %gather3A {strides = array<i32>} : memref<32x1024xf32, #tpu.memory_space<vmem>>, vector<16xf32>,
      %broadcast_in_dim3A_48 = arith.constant 1 : i32
      %broadcast_in_dim3A_49 = vector.broadcast %broadcast_in_dim3A_48 : i32 to vector<16xi32>
      %gather3A_50 = tpu.vector_load_idx %arg5[%broadcast_in_dim3A_49, %get3A_41] : memref<32x1024xf32, #tpu.memory_space<vmem>>[vector<16xi32>, vector<16xi32>], vector<16xf32>,
      %mul3A_51 = arith.constant 16 : i32
      %mul3A_52 = arith.muli %scan3A_38, %mul3A_51 : i32
      %swap3A_53 = arith.constant 1 : i32
      %swap3A_54 = arith.index_cast %swap3A_53 : i32 to index
      %swap3A_55 = arith.index_cast %mul3A_52 : i32 to index
      %swap3A_56 = tpu.vector_load %arg7[%swap3A_54, %swap3A_55] {strides = array<i32>} : memref<32x1024xf32, #tpu.memory_space<vmem>>, vector<16xf32>,
      tpu.vector_store %arg7[%swap3A_54, %swap3A_55], %gather3A_50 {strides = array<i32>} : memref<32x1024xf32, #tpu.memory_space<vmem>>, vector<16xf32>,
      %broadcast_in_dim3A_57 = arith.constant 2 : i32
      %broadcast_in_dim3A_58 = vector.broadcast %broadcast_in_dim3A_57 : i32 to vector<16xi32>
      %gather3A_59 = tpu.vector_load_idx %arg5[%broadcast_in_dim3A_58, %get3A_41] : memref<32x1024xf32, #tpu.memory_space<vmem>>[vector<16xi32>, vector<16xi32>], vector<16xf32>,
      %mul3A_60 = arith.constant 16 : i32
      %mul3A_61 = arith.muli %scan3A_38, %mul3A_60 : i32
      %swap3A_62 = arith.constant 2 : i32
      %swap3A_63 = arith.index_cast %swap3A_62 : i32 to index
      %swap3A_64 = arith.index_cast %mul3A_61 : i32 to index
      %swap3A_65 = tpu.vector_load %arg7[%swap3A_63, %swap3A_64] {strides = array<i32>} : memref<32x1024xf32, #tpu.memory_space<vmem>>, vector<16xf32>,
      tpu.vector_store %arg7[%swap3A_63, %swap3A_64], %gather3A_59 {strides = array<i32>} : memref<32x1024xf32, #tpu.memory_space<vmem>>, vector<16xf32>,
      %broadcast_in_dim3A_66 = arith.constant 3 : i32
      %broadcast_in_dim3A_67 = vector.broadcast %broadcast_in_dim3A_66 : i32 to vector<16xi32>
      %gather3A_68 = tpu.vector_load_idx %arg5[%broadcast_in_dim3A_67, %get3A_41] : memref<32x1024xf32, #tpu.memory_space<vmem>>[vector<16xi32>, vector<16xi32>], vector<16xf32>,
      %mul3A_69 = arith.constant 16 : i32
      %mul3A_70 = arith.muli %scan3A_38, %mul3A_69 : i32
      %swap3A_71 = arith.constant 3 : i32
      %swap3A_72 = arith.index_cast %swap3A_71 : i32 to index
      %swap3A_73 = arith.index_cast %mul3A_70 : i32 to index
      %swap3A_74 = tpu.vector_load %arg7[%swap3A_72, %swap3A_73] {strides = array<i32>} : memref<32x1024xf32, #tpu.memory_space<vmem>>, vector<16xf32>,
      tpu.vector_store %arg7[%swap3A_72, %swap3A_73], %gather3A_68 {strides = array<i32>} : memref<32x1024xf32, #tpu.memory_space<vmem>>, vector<16xf32>,
      %broadcast_in_dim3A_75 = arith.constant 4 : i32
      %broadcast_in_dim3A_76 = vector.broadcast %broadcast_in_dim3A_75 : i32 to vector<16xi32>
      %gather3A_77 = tpu.vector_load_idx %arg5[%broadcast_in_dim3A_76, %get3A_41] : memref<32x1024xf32, #tpu.memory_space<vmem>>[vector<16xi32>, vector<16xi32>], vector<16xf32>,
      %mul3A_78 = arith.constant 16 : i32
      %mul3A_79 = arith.muli %scan3A_38, %mul3A_78 : i32
      %swap3A_80 = arith.constant 4 : i32
      %swap3A_81 = arith.index_cast %swap3A_80 : i32 to index
      %swap3A_82 = arith.index_cast %mul3A_79 : i32 to index
      %swap3A_83 = tpu.vector_load %arg7[%swap3A_81, %swap3A_82] {strides = array<i32>} : memref<32x1024xf32, #tpu.memory_space<vmem>>, vector<16xf32>,
      tpu.vector_store %arg7[%swap3A_81, %swap3A_82], %gather3A_77 {strides = array<i32>} : memref<32x1024xf32, #tpu.memory_space<vmem>>, vector<16xf32>,
      %broadcast_in_dim3A_84 = arith.constant 5 : i32
      %broadcast_in_dim3A_85 = vector.broadcast %broadcast_in_dim3A_84 : i32 to vector<16xi32>
      %gather3A_86 = tpu.vector_load_idx %arg5[%broadcast_in_dim3A_85, %get3A_41] : memref<32x1024xf32, #tpu.memory_space<vmem>>[vector<16xi32>, vector<16xi32>], vector<16xf32>,
      %mul3A_87 = arith.constant 16 : i32
      %mul3A_88 = arith.muli %scan3A_38, %mul3A_87 : i32
      %swap3A_89 = arith.constant 5 : i32
      %swap3A_90 = arith.index_cast %swap3A_89 : i32 to index
      %swap3A_91 = arith.index_cast %mul3A_88 : i32 to index
      %swap3A_92 = tpu.vector_load %arg7[%swap3A_90, %swap3A_91] {strides = array<i32>} : memref<32x1024xf32, #tpu.memory_space<vmem>>, vector<16xf32>,
      tpu.vector_store %arg7[%swap3A_90, %swap3A_91], %gather3A_86 {strides = array<i32>} : memref<32x1024xf32, #tpu.memory_space<vmem>>, vector<16xf32>,
      %broadcast_in_dim3A_93 = arith.constant 6 : i32
      %broadcast_in_dim3A_94 = vector.broadcast %broadcast_in_dim3A_93 : i32 to vector<16xi32>
      %gather3A_95 = tpu.vector_load_idx %arg5[%broadcast_in_dim3A_94, %get3A_41] : memref<32x1024xf32, #tpu.memory_space<vmem>>[vector<16xi32>, vector<16xi32>], vector<16xf32>,
      %mul3A_96 = arith.constant 16 : i32
      %mul3A_97 = arith.muli %scan3A_38, %mul3A_96 : i32
      %swap3A_98 = arith.constant 6 : i32
      %swap3A_99 = arith.index_cast %swap3A_98 : i32 to index
      %swap3A_100 = arith.index_cast %mul3A_97 : i32 to index
      %swap3A_101 = tpu.vector_load %arg7[%swap3A_99, %swap3A_100] {strides = array<i32>} : memref<32x1024xf32, #tpu.memory_space<vmem>>, vector<16xf32>,
      tpu.vector_store %arg7[%swap3A_99, %swap3A_100], %gather3A_95 {strides = array<i32>} : memref<32x1024xf32, #tpu.memory_space<vmem>>, vector<16xf32>,
      %broadcast_in_dim3A_102 = arith.constant 7 : i32
      %broadcast_in_dim3A_103 = vector.broadcast %broadcast_in_dim3A_102 : i32 to vector<16xi32>
      %gather3A_104 = tpu.vector_load_idx %arg5[%broadcast_in_dim3A_103, %get3A_41] : memref<32x1024xf32, #tpu.memory_space<vmem>>[vector<16xi32>, vector<16xi32>], vector<16xf32>,
      %mul3A_105 = arith.constant 16 : i32
      %mul3A_106 = arith.muli %scan3A_38, %mul3A_105 : i32
      %swap3A_107 = arith.constant 7 : i32
      %swap3A_108 = arith.index_cast %swap3A_107 : i32 to index
      %swap3A_109 = arith.index_cast %mul3A_106 : i32 to index
      %swap3A_110 = tpu.vector_load %arg7[%swap3A_108, %swap3A_109] {strides = array<i32>} : memref<32x1024xf32, #tpu.memory_space<vmem>>, vector<16xf32>,
      tpu.vector_store %arg7[%swap3A_108, %swap3A_109], %gather3A_104 {strides = array<i32>} : memref<32x1024xf32, #tpu.memory_space<vmem>>, vector<16xf32>,
      %broadcast_in_dim3A_111 = arith.constant 8 : i32
      %broadcast_in_dim3A_112 = vector.broadcast %broadcast_in_dim3A_111 : i32 to vector<16xi32>
      %gather3A_113 = tpu.vector_load_idx %arg5[%broadcast_in_dim3A_112, %get3A_41] : memref<32x1024xf32, #tpu.memory_space<vmem>>[vector<16xi32>, vector<16xi32>], vector<16xf32>,
      %mul3A_114 = arith.constant 16 : i32
      %mul3A_115 = arith.muli %scan3A_38, %mul3A_114 : i32
      %swap3A_116 = arith.constant 8 : i32
      %swap3A_117 = arith.index_cast %swap3A_116 : i32 to index
      %swap3A_118 = arith.index_cast %mul3A_115 : i32 to index
      %swap3A_119 = tpu.vector_load %arg7[%swap3A_117, %swap3A_118] {strides = array<i32>} : memref<32x1024xf32, #tpu.memory_space<vmem>>, vector<16xf32>,
      tpu.vector_store %arg7[%swap3A_117, %swap3A_118], %gather3A_113 {strides = array<i32>} : memref<32x1024xf32, #tpu.memory_space<vmem>>, vector<16xf32>,
      %broadcast_in_dim3A_120 = arith.constant 9 : i32
      %broadcast_in_dim3A_121 = vector.broadcast %broadcast_in_dim3A_120 : i32 to vector<16xi32>
      %gather3A_122 = tpu.vector_load_idx %arg5[%broadcast_in_dim3A_121, %get3A_41] : memref<32x1024xf32, #tpu.memory_space<vmem>>[vector<16xi32>, vector<16xi32>], vector<16xf32>,
      %mul3A_123 = arith.constant 16 : i32
      %mul3A_124 = arith.muli %scan3A_38, %mul3A_123 : i32
      %swap3A_125 = arith.constant 9 : i32
      %swap3A_126 = arith.index_cast %swap3A_125 : i32 to index
      %swap3A_127 = arith.index_cast %mul3A_124 : i32 to index
      %swap3A_128 = tpu.vector_load %arg7[%swap3A_126, %swap3A_127] {strides = array<i32>} : memref<32x1024xf32, #tpu.memory_space<vmem>>, vector<16xf32>,
      tpu.vector_store %arg7[%swap3A_126, %swap3A_127], %gather3A_122 {strides = array<i32>} : memref<32x1024xf32, #tpu.memory_space<vmem>>, vector<16xf32>,
      %broadcast_in_dim3A_129 = arith.constant 10 : i32
      %broadcast_in_dim3A_130 = vector.broadcast %broadcast_in_dim3A_129 : i32 to vector<16xi32>
      %gather3A_131 = tpu.vector_load_idx %arg5[%broadcast_in_dim3A_130, %get3A_41] : memref<32x1024xf32, #tpu.memory_space<vmem>>[vector<16xi32>, vector<16xi32>], vector<16xf32>,
      %mul3A_132 = arith.constant 16 : i32
      %mul3A_133 = arith.muli %scan3A_38, %mul3A_132 : i32
      %swap3A_134 = arith.constant 10 : i32
      %swap3A_135 = arith.index_cast %swap3A_134 : i32 to index
      %swap3A_136 = arith.index_cast %mul3A_133 : i32 to index
      %swap3A_137 = tpu.vector_load %arg7[%swap3A_135, %swap3A_136] {strides = array<i32>} : memref<32x1024xf32, #tpu.memory_space<vmem>>, vector<16xf32>,
      tpu.vector_store %arg7[%swap3A_135, %swap3A_136], %gather3A_131 {strides = array<i32>} : memref<32x1024xf32, #tpu.memory_space<vmem>>, vector<16xf32>,
      %broadcast_in_dim3A_138 = arith.constant 11 : i32
      %broadcast_in_dim3A_139 = vector.broadcast %broadcast_in_dim3A_138 : i32 to vector<16xi32>
      %gather3A_140 = tpu.vector_load_idx %arg5[%broadcast_in_dim3A_139, %get3A_41] : memref<32x1024xf32, #tpu.memory_space<vmem>>[vector<16xi32>, vector<16xi32>], vector<16xf32>,
      %mul3A_141 = arith.constant 16 : i32
      %mul3A_142 = arith.muli %scan3A_38, %mul3A_141 : i32
      %swap3A_143 = arith.constant 11 : i32
      %swap3A_144 = arith.index_cast %swap3A_143 : i32 to index
      %swap3A_145 = arith.index_cast %mul3A_142 : i32 to index
      %swap3A_146 = tpu.vector_load %arg7[%swap3A_144, %swap3A_145] {strides = array<i32>} : memref<32x1024xf32, #tpu.memory_space<vmem>>, vector<16xf32>,
      tpu.vector_store %arg7[%swap3A_144, %swap3A_145], %gather3A_140 {strides = array<i32>} : memref<32x1024xf32, #tpu.memory_space<vmem>>, vector<16xf32>,
      %broadcast_in_dim3A_147 = arith.constant 12 : i32
      %broadcast_in_dim3A_148 = vector.broadcast %broadcast_in_dim3A_147 : i32 to vector<16xi32>
      %gather3A_149 = tpu.vector_load_idx %arg5[%broadcast_in_dim3A_148, %get3A_41] : memref<32x1024xf32, #tpu.memory_space<vmem>>[vector<16xi32>, vector<16xi32>], vector<16xf32>,
      %mul3A_150 = arith.constant 16 : i32
      %mul3A_151 = arith.muli %scan3A_38, %mul3A_150 : i32
      %swap3A_152 = arith.constant 12 : i32
      %swap3A_153 = arith.index_cast %swap3A_152 : i32 to index
      %swap3A_154 = arith.index_cast %mul3A_151 : i32 to index
      %swap3A_155 = tpu.vector_load %arg7[%swap3A_153, %swap3A_154] {strides = array<i32>} : memref<32x1024xf32, #tpu.memory_space<vmem>>, vector<16xf32>,
      tpu.vector_store %arg7[%swap3A_153, %swap3A_154], %gather3A_149 {strides = array<i32>} : memref<32x1024xf32, #tpu.memory_space<vmem>>, vector<16xf32>,
      %broadcast_in_dim3A_156 = arith.constant 13 : i32
      %broadcast_in_dim3A_157 = vector.broadcast %broadcast_in_dim3A_156 : i32 to vector<16xi32>
      %gather3A_158 = tpu.vector_load_idx %arg5[%broadcast_in_dim3A_157, %get3A_41] : memref<32x1024xf32, #tpu.memory_space<vmem>>[vector<16xi32>, vector<16xi32>], vector<16xf32>,
      %mul3A_159 = arith.constant 16 : i32
      %mul3A_160 = arith.muli %scan3A_38, %mul3A_159 : i32
      %swap3A_161 = arith.constant 13 : i32
      %swap3A_162 = arith.index_cast %swap3A_161 : i32 to index
      %swap3A_163 = arith.index_cast %mul3A_160 : i32 to index
      %swap3A_164 = tpu.vector_load %arg7[%swap3A_162, %swap3A_163] {strides = array<i32>} : memref<32x1024xf32, #tpu.memory_space<vmem>>, vector<16xf32>,
      tpu.vector_store %arg7[%swap3A_162, %swap3A_163], %gather3A_158 {strides = array<i32>} : memref<32x1024xf32, #tpu.memory_space<vmem>>, vector<16xf32>,
      %broadcast_in_dim3A_165 = arith.constant 14 : i32
      %broadcast_in_dim3A_166 = vector.broadcast %broadcast_in_dim3A_165 : i32 to vector<16xi32>
      %gather3A_167 = tpu.vector_load_idx %arg5[%broadcast_in_dim3A_166, %get3A_41] : memref<32x1024xf32, #tpu.memory_space<vmem>>[vector<16xi32>, vector<16xi32>], vector<16xf32>,
      %mul3A_168 = arith.constant 16 : i32
      %mul3A_169 = arith.muli %scan3A_38, %mul3A_168 : i32
      %swap3A_170 = arith.constant 14 : i32
      %swap3A_171 = arith.index_cast %swap3A_170 : i32 to index
      %swap3A_172 = arith.index_cast %mul3A_169 : i32 to index
      %swap3A_173 = tpu.vector_load %arg7[%swap3A_171, %swap3A_172] {strides = array<i32>} : memref<32x1024xf32, #tpu.memory_space<vmem>>, vector<16xf32>,
      tpu.vector_store %arg7[%swap3A_171, %swap3A_172], %gather3A_167 {strides = array<i32>} : memref<32x1024xf32, #tpu.memory_space<vmem>>, vector<16xf32>,
      %broadcast_in_dim3A_174 = arith.constant 15 : i32
      %broadcast_in_dim3A_175 = vector.broadcast %broadcast_in_dim3A_174 : i32 to vector<16xi32>
      %gather3A_176 = tpu.vector_load_idx %arg5[%broadcast_in_dim3A_175, %get3A_41] : memref<32x1024xf32, #tpu.memory_space<vmem>>[vector<16xi32>, vector<16xi32>], vector<16xf32>,
      %mul3A_177 = arith.constant 16 : i32
      %mul3A_178 = arith.muli %scan3A_38, %mul3A_177 : i32
      %swap3A_179 = arith.constant 15 : i32
      %swap3A_180 = arith.index_cast %swap3A_179 : i32 to index
      %swap3A_181 = arith.index_cast %mul3A_178 : i32 to index
      %swap3A_182 = tpu.vector_load %arg7[%swap3A_180, %swap3A_181] {strides = array<i32>} : memref<32x1024xf32, #tpu.memory_space<vmem>>, vector<16xf32>,
      tpu.vector_store %arg7[%swap3A_180, %swap3A_181], %gather3A_176 {strides = array<i32>} : memref<32x1024xf32, #tpu.memory_space<vmem>>, vector<16xf32>,
      %broadcast_in_dim3A_183 = arith.constant 16 : i32
      %broadcast_in_dim3A_184 = vector.broadcast %broadcast_in_dim3A_183 : i32 to vector<16xi32>
      %gather3A_185 = tpu.vector_load_idx %arg5[%broadcast_in_dim3A_184, %get3A_41] : memref<32x1024xf32, #tpu.memory_space<vmem>>[vector<16xi32>, vector<16xi32>], vector<16xf32>,
      %mul3A_186 = arith.constant 16 : i32
      %mul3A_187 = arith.muli %scan3A_38, %mul3A_186 : i32
      %swap3A_188 = arith.constant 16 : i32
      %swap3A_189 = arith.index_cast %swap3A_188 : i32 to index
      %swap3A_190 = arith.index_cast %mul3A_187 : i32 to index
      %swap3A_191 = tpu.vector_load %arg7[%swap3A_189, %swap3A_190] {strides = array<i32>} : memref<32x1024xf32, #tpu.memory_space<vmem>>, vector<16xf32>,
      tpu.vector_store %arg7[%swap3A_189, %swap3A_190], %gather3A_185 {strides = array<i32>} : memref<32x1024xf32, #tpu.memory_space<vmem>>, vector<16xf32>,
      %broadcast_in_dim3A_192 = arith.constant 17 : i32
      %broadcast_in_dim3A_193 = vector.broadcast %broadcast_in_dim3A_192 : i32 to vector<16xi32>
      %gather3A_194 = tpu.vector_load_idx %arg5[%broadcast_in_dim3A_193, %get3A_41] : memref<32x1024xf32, #tpu.memory_space<vmem>>[vector<16xi32>, vector<16xi32>], vector<16xf32>,
      %mul3A_195 = arith.constant 16 : i32
      %mul3A_196 = arith.muli %scan3A_38, %mul3A_195 : i32
      %swap3A_197 = arith.constant 17 : i32
      %swap3A_198 = arith.index_cast %swap3A_197 : i32 to index
      %swap3A_199 = arith.index_cast %mul3A_196 : i32 to index
      %swap3A_200 = tpu.vector_load %arg7[%swap3A_198, %swap3A_199] {strides = array<i32>} : memref<32x1024xf32, #tpu.memory_space<vmem>>, vector<16xf32>,
      tpu.vector_store %arg7[%swap3A_198, %swap3A_199], %gather3A_194 {strides = array<i32>} : memref<32x1024xf32, #tpu.memory_space<vmem>>, vector<16xf32>,
      %broadcast_in_dim3A_201 = arith.constant 18 : i32
      %broadcast_in_dim3A_202 = vector.broadcast %broadcast_in_dim3A_201 : i32 to vector<16xi32>
      %gather3A_203 = tpu.vector_load_idx %arg5[%broadcast_in_dim3A_202, %get3A_41] : memref<32x1024xf32, #tpu.memory_space<vmem>>[vector<16xi32>, vector<16xi32>], vector<16xf32>,
      %mul3A_204 = arith.constant 16 : i32
      %mul3A_205 = arith.muli %scan3A_38, %mul3A_204 : i32
      %swap3A_206 = arith.constant 18 : i32
      %swap3A_207 = arith.index_cast %swap3A_206 : i32 to index
      %swap3A_208 = arith.index_cast %mul3A_205 : i32 to index
      %swap3A_209 = tpu.vector_load %arg7[%swap3A_207, %swap3A_208] {strides = array<i32>} : memref<32x1024xf32, #tpu.memory_space<vmem>>, vector<16xf32>,
      tpu.vector_store %arg7[%swap3A_207, %swap3A_208], %gather3A_203 {strides = array<i32>} : memref<32x1024xf32, #tpu.memory_space<vmem>>, vector<16xf32>,
      %broadcast_in_dim3A_210 = arith.constant 19 : i32
      %broadcast_in_dim3A_211 = vector.broadcast %broadcast_in_dim3A_210 : i32 to vector<16xi32>
      %gather3A_212 = tpu.vector_load_idx %arg5[%broadcast_in_dim3A_211, %get3A_41] : memref<32x1024xf32, #tpu.memory_space<vmem>>[vector<16xi32>, vector<16xi32>], vector<16xf32>,
      %mul3A_213 = arith.constant 16 : i32
      %mul3A_214 = arith.muli %scan3A_38, %mul3A_213 : i32
      %swap3A_215 = arith.constant 19 : i32
      %swap3A_216 = arith.index_cast %swap3A_215 : i32 to index
      %swap3A_217 = arith.index_cast %mul3A_214 : i32 to index
      %swap3A_218 = tpu.vector_load %arg7[%swap3A_216, %swap3A_217] {strides = array<i32>} : memref<32x1024xf32, #tpu.memory_space<vmem>>, vector<16xf32>,
      tpu.vector_store %arg7[%swap3A_216, %swap3A_217], %gather3A_212 {strides = array<i32>} : memref<32x1024xf32, #tpu.memory_space<vmem>>, vector<16xf32>,
      %broadcast_in_dim3A_219 = arith.constant 20 : i32
      %broadcast_in_dim3A_220 = vector.broadcast %broadcast_in_dim3A_219 : i32 to vector<16xi32>
      %gather3A_221 = tpu.vector_load_idx %arg5[%broadcast_in_dim3A_220, %get3A_41] : memref<32x1024xf32, #tpu.memory_space<vmem>>[vector<16xi32>, vector<16xi32>], vector<16xf32>,
      %mul3A_222 = arith.constant 16 : i32
      %mul3A_223 = arith.muli %scan3A_38, %mul3A_222 : i32
      %swap3A_224 = arith.constant 20 : i32
      %swap3A_225 = arith.index_cast %swap3A_224 : i32 to index
      %swap3A_226 = arith.index_cast %mul3A_223 : i32 to index
      %swap3A_227 = tpu.vector_load %arg7[%swap3A_225, %swap3A_226] {strides = array<i32>} : memref<32x1024xf32, #tpu.memory_space<vmem>>, vector<16xf32>,
      tpu.vector_store %arg7[%swap3A_225, %swap3A_226], %gather3A_221 {strides = array<i32>} : memref<32x1024xf32, #tpu.memory_space<vmem>>, vector<16xf32>,
      %broadcast_in_dim3A_228 = arith.constant 21 : i32
      %broadcast_in_dim3A_229 = vector.broadcast %broadcast_in_dim3A_228 : i32 to vector<16xi32>
      %gather3A_230 = tpu.vector_load_idx %arg5[%broadcast_in_dim3A_229, %get3A_41] : memref<32x1024xf32, #tpu.memory_space<vmem>>[vector<16xi32>, vector<16xi32>], vector<16xf32>,
      %mul3A_231 = arith.constant 16 : i32
      %mul3A_232 = arith.muli %scan3A_38, %mul3A_231 : i32
      %swap3A_233 = arith.constant 21 : i32
      %swap3A_234 = arith.index_cast %swap3A_233 : i32 to index
      %swap3A_235 = arith.index_cast %mul3A_232 : i32 to index
      %swap3A_236 = tpu.vector_load %arg7[%swap3A_234, %swap3A_235] {strides = array<i32>} : memref<32x1024xf32, #tpu.memory_space<vmem>>, vector<16xf32>,
      tpu.vector_store %arg7[%swap3A_234, %swap3A_235], %gather3A_230 {strides = array<i32>} : memref<32x1024xf32, #tpu.memory_space<vmem>>, vector<16xf32>,
      %broadcast_in_dim3A_237 = arith.constant 22 : i32
      %broadcast_in_dim3A_238 = vector.broadcast %broadcast_in_dim3A_237 : i32 to vector<16xi32>
      %gather3A_239 = tpu.vector_load_idx %arg5[%broadcast_in_dim3A_238, %get3A_41] : memref<32x1024xf32, #tpu.memory_space<vmem>>[vector<16xi32>, vector<16xi32>], vector<16xf32>,
      %mul3A_240 = arith.constant 16 : i32
      %mul3A_241 = arith.muli %scan3A_38, %mul3A_240 : i32
      %swap3A_242 = arith.constant 22 : i32
      %swap3A_243 = arith.index_cast %swap3A_242 : i32 to index
      %swap3A_244 = arith.index_cast %mul3A_241 : i32 to index
      %swap3A_245 = tpu.vector_load %arg7[%swap3A_243, %swap3A_244] {strides = array<i32>} : memref<32x1024xf32, #tpu.memory_space<vmem>>, vector<16xf32>,
      tpu.vector_store %arg7[%swap3A_243, %swap3A_244], %gather3A_239 {strides = array<i32>} : memref<32x1024xf32, #tpu.memory_space<vmem>>, vector<16xf32>,
      %broadcast_in_dim3A_246 = arith.constant 23 : i32
      %broadcast_in_dim3A_247 = vector.broadcast %broadcast_in_dim3A_246 : i32 to vector<16xi32>
      %gather3A_248 = tpu.vector_load_idx %arg5[%broadcast_in_dim3A_247, %get3A_41] : memref<32x1024xf32, #tpu.memory_space<vmem>>[vector<16xi32>, vector<16xi32>], vector<16xf32>,
      %mul3A_249 = arith.constant 16 : i32
      %mul3A_250 = arith.muli %scan3A_38, %mul3A_249 : i32
      %swap3A_251 = arith.constant 23 : i32
      %swap3A_252 = arith.index_cast %swap3A_251 : i32 to index
      %swap3A_253 = arith.index_cast %mul3A_250 : i32 to index
      %swap3A_254 = tpu.vector_load %arg7[%swap3A_252, %swap3A_253] {strides = array<i32>} : memref<32x1024xf32, #tpu.memory_space<vmem>>, vector<16xf32>,
      tpu.vector_store %arg7[%swap3A_252, %swap3A_253], %gather3A_248 {strides = array<i32>} : memref<32x1024xf32, #tpu.memory_space<vmem>>, vector<16xf32>,
      %broadcast_in_dim3A_255 = arith.constant 24 : i32
      %broadcast_in_dim3A_256 = vector.broadcast %broadcast_in_dim3A_255 : i32 to vector<16xi32>
      %gather3A_257 = tpu.vector_load_idx %arg5[%broadcast_in_dim3A_256, %get3A_41] : memref<32x1024xf32, #tpu.memory_space<vmem>>[vector<16xi32>, vector<16xi32>], vector<16xf32>,
      %mul3A_258 = arith.constant 16 : i32
      %mul3A_259 = arith.muli %scan3A_38, %mul3A_258 : i32
      %swap3A_260 = arith.constant 24 : i32
      %swap3A_261 = arith.index_cast %swap3A_260 : i32 to index
      %swap3A_262 = arith.index_cast %mul3A_259 : i32 to index
      %swap3A_263 = tpu.vector_load %arg7[%swap3A_261, %swap3A_262] {strides = array<i32>} : memref<32x1024xf32, #tpu.memory_space<vmem>>, vector<16xf32>,
      tpu.vector_store %arg7[%swap3A_261, %swap3A_262], %gather3A_257 {strides = array<i32>} : memref<32x1024xf32, #tpu.memory_space<vmem>>, vector<16xf32>,
      %broadcast_in_dim3A_264 = arith.constant 25 : i32
      %broadcast_in_dim3A_265 = vector.broadcast %broadcast_in_dim3A_264 : i32 to vector<16xi32>
      %gather3A_266 = tpu.vector_load_idx %arg5[%broadcast_in_dim3A_265, %get3A_41] : memref<32x1024xf32, #tpu.memory_space<vmem>>[vector<16xi32>, vector<16xi32>], vector<16xf32>,
      %mul3A_267 = arith.constant 16 : i32
      %mul3A_268 = arith.muli %scan3A_38, %mul3A_267 : i32
      %swap3A_269 = arith.constant 25 : i32
      %swap3A_270 = arith.index_cast %swap3A_269 : i32 to index
      %swap3A_271 = arith.index_cast %mul3A_268 : i32 to index
      %swap3A_272 = tpu.vector_load %arg7[%swap3A_270, %swap3A_271] {strides = array<i32>} : memref<32x1024xf32, #tpu.memory_space<vmem>>, vector<16xf32>,
      tpu.vector_store %arg7[%swap3A_270, %swap3A_271], %gather3A_266 {strides = array<i32>} : memref<32x1024xf32, #tpu.memory_space<vmem>>, vector<16xf32>,
      %broadcast_in_dim3A_273 = arith.constant 26 : i32
      %broadcast_in_dim3A_274 = vector.broadcast %broadcast_in_dim3A_273 : i32 to vector<16xi32>
      %gather3A_275 = tpu.vector_load_idx %arg5[%broadcast_in_dim3A_274, %get3A_41] : memref<32x1024xf32, #tpu.memory_space<vmem>>[vector<16xi32>, vector<16xi32>], vector<16xf32>,
      %mul3A_276 = arith.constant 16 : i32
      %mul3A_277 = arith.muli %scan3A_38, %mul3A_276 : i32
      %swap3A_278 = arith.constant 26 : i32
      %swap3A_279 = arith.index_cast %swap3A_278 : i32 to index
      %swap3A_280 = arith.index_cast %mul3A_277 : i32 to index
      %swap3A_281 = tpu.vector_load %arg7[%swap3A_279, %swap3A_280] {strides = array<i32>} : memref<32x1024xf32, #tpu.memory_space<vmem>>, vector<16xf32>,
      tpu.vector_store %arg7[%swap3A_279, %swap3A_280], %gather3A_275 {strides = array<i32>} : memref<32x1024xf32, #tpu.memory_space<vmem>>, vector<16xf32>,
      %broadcast_in_dim3A_282 = arith.constant 27 : i32
      %broadcast_in_dim3A_283 = vector.broadcast %broadcast_in_dim3A_282 : i32 to vector<16xi32>
      %gather3A_284 = tpu.vector_load_idx %arg5[%broadcast_in_dim3A_283, %get3A_41] : memref<32x1024xf32, #tpu.memory_space<vmem>>[vector<16xi32>, vector<16xi32>], vector<16xf32>,
      %mul3A_285 = arith.constant 16 : i32
      %mul3A_286 = arith.muli %scan3A_38, %mul3A_285 : i32
      %swap3A_287 = arith.constant 27 : i32
      %swap3A_288 = arith.index_cast %swap3A_287 : i32 to index
      %swap3A_289 = arith.index_cast %mul3A_286 : i32 to index
      %swap3A_290 = tpu.vector_load %arg7[%swap3A_288, %swap3A_289] {strides = array<i32>} : memref<32x1024xf32, #tpu.memory_space<vmem>>, vector<16xf32>,
      tpu.vector_store %arg7[%swap3A_288, %swap3A_289], %gather3A_284 {strides = array<i32>} : memref<32x1024xf32, #tpu.memory_space<vmem>>, vector<16xf32>,
      %broadcast_in_dim3A_291 = arith.constant 28 : i32
      %broadcast_in_dim3A_292 = vector.broadcast %broadcast_in_dim3A_291 : i32 to vector<16xi32>
      %gather3A_293 = tpu.vector_load_idx %arg5[%broadcast_in_dim3A_292, %get3A_41] : memref<32x1024xf32, #tpu.memory_space<vmem>>[vector<16xi32>, vector<16xi32>], vector<16xf32>,
      %mul3A_294 = arith.constant 16 : i32
      %mul3A_295 = arith.muli %scan3A_38, %mul3A_294 : i32
      %swap3A_296 = arith.constant 28 : i32
      %swap3A_297 = arith.index_cast %swap3A_296 : i32 to index
      %swap3A_298 = arith.index_cast %mul3A_295 : i32 to index
      %swap3A_299 = tpu.vector_load %arg7[%swap3A_297, %swap3A_298] {strides = array<i32>} : memref<32x1024xf32, #tpu.memory_space<vmem>>, vector<16xf32>,
      tpu.vector_store %arg7[%swap3A_297, %swap3A_298], %gather3A_293 {strides = array<i32>} : memref<32x1024xf32, #tpu.memory_space<vmem>>, vector<16xf32>,
      %broadcast_in_dim3A_300 = arith.constant 29 : i32
      %broadcast_in_dim3A_301 = vector.broadcast %broadcast_in_dim3A_300 : i32 to vector<16xi32>
      %gather3A_302 = tpu.vector_load_idx %arg5[%broadcast_in_dim3A_301, %get3A_41] : memref<32x1024xf32, #tpu.memory_space<vmem>>[vector<16xi32>, vector<16xi32>], vector<16xf32>,
      %mul3A_303 = arith.constant 16 : i32
      %mul3A_304 = arith.muli %scan3A_38, %mul3A_303 : i32
      %swap3A_305 = arith.constant 29 : i32
      %swap3A_306 = arith.index_cast %swap3A_305 : i32 to index
      %swap3A_307 = arith.index_cast %mul3A_304 : i32 to index
      %swap3A_308 = tpu.vector_load %arg7[%swap3A_306, %swap3A_307] {strides = array<i32>} : memref<32x1024xf32, #tpu.memory_space<vmem>>, vector<16xf32>,
      tpu.vector_store %arg7[%swap3A_306, %swap3A_307], %gather3A_302 {strides = array<i32>} : memref<32x1024xf32, #tpu.memory_space<vmem>>, vector<16xf32>,
      %broadcast_in_dim3A_309 = arith.constant 30 : i32
      %broadcast_in_dim3A_310 = vector.broadcast %broadcast_in_dim3A_309 : i32 to vector<16xi32>
      %gather3A_311 = tpu.vector_load_idx %arg5[%broadcast_in_dim3A_310, %get3A_41] : memref<32x1024xf32, #tpu.memory_space<vmem>>[vector<16xi32>, vector<16xi32>], vector<16xf32>,
      %mul3A_312 = arith.constant 16 : i32
      %mul3A_313 = arith.muli %scan3A_38, %mul3A_312 : i32
      %swap3A_314 = arith.constant 30 : i32
      %swap3A_315 = arith.index_cast %swap3A_314 : i32 to index
      %swap3A_316 = arith.index_cast %mul3A_313 : i32 to index
      %swap3A_317 = tpu.vector_load %arg7[%swap3A_315, %swap3A_316] {strides = array<i32>} : memref<32x1024xf32, #tpu.memory_space<vmem>>, vector<16xf32>,
      tpu.vector_store %arg7[%swap3A_315, %swap3A_316], %gather3A_311 {strides = array<i32>} : memref<32x1024xf32, #tpu.memory_space<vmem>>, vector<16xf32>,
      %broadcast_in_dim3A_318 = arith.constant 31 : i32
      %broadcast_in_dim3A_319 = vector.broadcast %broadcast_in_dim3A_318 : i32 to vector<16xi32>
      %gather3A_320 = tpu.vector_load_idx %arg5[%broadcast_in_dim3A_319, %get3A_41] : memref<32x1024xf32, #tpu.memory_space<vmem>>[vector<16xi32>, vector<16xi32>], vector<16xf32>,
      %mul3A_321 = arith.constant 16 : i32
      %mul3A_322 = arith.muli %scan3A_38, %mul3A_321 : i32
      %swap3A_323 = arith.constant 31 : i32
      %swap3A_324 = arith.index_cast %swap3A_323 : i32 to index
      %swap3A_325 = arith.index_cast %mul3A_322 : i32 to index
      %swap3A_326 = tpu.vector_load %arg7[%swap3A_324, %swap3A_325] {strides = array<i32>} : memref<32x1024xf32, #tpu.memory_space<vmem>>, vector<16xf32>,
      tpu.vector_store %arg7[%swap3A_324, %swap3A_325], %gather3A_320 {strides = array<i32>} : memref<32x1024xf32, #tpu.memory_space<vmem>>, vector<16xf32>,
    }
    %scan3A_37 = arith.constant 64 : i32
    "tpu.region"() ({
      %run_scoped3A = tpu.sem_alloc : memref<!tpu.dma_semaphore, #tpu.memory_space<semaphore_mem>>
      %dma_start3A = arith.constant 0 : i32
      %dma_start3A_38 = tpu.memref_slice %arg4[%select_n3A, %mul3A_32, %dma_start3A] : memref<16x64x1024xf32, #tpu.memory_space<hbm>> -> memref<1x32x1024xf32, #tpu.memory_space<hbm>>
      %dma_start3A_39 = tpu.memref_squeeze %dma_start3A_38 : memref<1x32x1024xf32, #tpu.memory_space<hbm>> -> memref<32x1024xf32, #tpu.memory_space<hbm>>
      %dma_start3A_40 = arith.constant 0 : i32
      %dma_start3A_41 = tpu.memref_slice %arg4[%select_n3A, %mul3A_32, %dma_start3A_40] : memref<16x64x1024xf32, #tpu.memory_space<hbm>> -> memref<1x32x1024xf32, #tpu.memory_space<hbm>>
      %dma_start3A_42 = tpu.memref_squeeze %dma_start3A_41 : memref<1x32x1024xf32, #tpu.memory_space<hbm>> -> memref<32x1024xf32, #tpu.memory_space<hbm>>
      tpu.enqueue_dma source(%arg7 : memref<32x1024xf32, #tpu.memory_space<vmem>>) target(%dma_start3A_42 : memref<32x1024xf32, #tpu.memory_space<hbm>>) target_semaphore(%run_scoped3A : memref<!tpu.dma_semaphore, #tpu.memory_space<semaphore_mem>>)
      %dma_wait3A = arith.constant 0 : i32
      %dma_wait3A_43 = tpu.memref_slice %arg4[%select_n3A, %mul3A_32, %dma_wait3A] : memref<16x64x1024xf32, #tpu.memory_space<hbm>> -> memref<1x32x1024xf32, #tpu.memory_space<hbm>>
      %dma_wait3A_44 = tpu.memref_squeeze %dma_wait3A_43 : memref<1x32x1024xf32, #tpu.memory_space<hbm>> -> memref<32x1024xf32, #tpu.memory_space<hbm>>
      %dma_wait3A_45 = arith.constant 0 : i32
      %dma_wait3A_46 = tpu.memref_slice %arg4[%select_n3A, %mul3A_32, %dma_wait3A_45] : memref<16x64x1024xf32, #tpu.memory_space<hbm>> -> memref<1x32x1024xf32, #tpu.memory_space<hbm>>
      %dma_wait3A_47 = tpu.memref_squeeze %dma_wait3A_46 : memref<1x32x1024xf32, #tpu.memory_space<hbm>> -> memref<32x1024xf32, #tpu.memory_space<hbm>>
      tpu.wait_dma2 semaphore(%run_scoped3A : memref<!tpu.dma_semaphore, #tpu.memory_space<semaphore_mem>>) src(%arg7 : memref<32x1024xf32, #tpu.memory_space<vmem>>) dst(%dma_wait3A_47 : memref<32x1024xf32, #tpu.memory_space<hbm>>)
      tpu.yield
    }) : () -> ()
    return
  }
}

module attributes {stable_mosaic.version = 14 : i64} {
  func.func @_vq_tc_body(%arg0: i32, %arg1: memref<4x64x1024xf32, #tpu.memory_space<vmem>>, %arg2: memref<1024x64xf32, #tpu.memory_space<vmem>>, %arg3: memref<4x1x1024xi32, #tpu.memory_space<vmem>>, %arg4: memref<1x1x1xf32, #tpu.memory_space<vmem>>) attributes {dimension_semantics = [#tpu.dimension_semantics<parallel>], iteration_bounds = array<i64: 4>, scalar_prefetch = 0 : i64, scratch_operands = 0 : i64, tpu.core_type = #tpu.core_type<tc>, window_params = [{transform_indices = @transform_0, window_bounds = array<i64: 4, 64, 1024>}, {pipeline_mode = #tpu.pipeline_mode<synchronous>, transform_indices = @transform_1, window_bounds = array<i64: 1024, 64>}, {transform_indices = @transform_2, window_bounds = array<i64: 4, 1, 1024>}, {transform_indices = @transform_3, window_bounds = array<i64: 1, 1, 1>}]} {
    %get3A = arith.constant 0 : index
    %get3A_0 = arith.constant 0 : index
    %get3A_1 = vector.load %arg2[%get3A, %get3A_0] : memref<1024x64xf32, #tpu.memory_space<vmem>>, vector<1024x64xf32>
    %mul3A = arith.mulf %get3A_1, %get3A_1 : vector<1024x64xf32>
    %reduce_sum3A = arith.constant dense<0.000000e+00> : vector<1024xf32>
    %reduce_sum3A_2 = vector.multi_reduction <add>, %mul3A, %reduce_sum3A [1] : vector<1024x64xf32> to vector<1024xf32>
    %broadcast_in_dim3A = vector.shape_cast %reduce_sum3A_2 : vector<1024xf32> to vector<1024x1xf32>
    %mul3A_3 = arith.constant 5.000000e-01 : f32
    %mul3A_4 = vector.broadcast %mul3A_3 : f32 to vector<1024x1xf32>
    %mul3A_5 = arith.mulf %broadcast_in_dim3A, %mul3A_4 : vector<1024x1xf32>
    %get3A_6 = arith.constant 0 : index
    %get3A_7 = arith.constant 0 : index
    %get3A_8 = arith.constant 0 : index
    %get3A_9 = vector.load %arg1[%get3A_6, %get3A_7, %get3A_8] : memref<4x64x1024xf32, #tpu.memory_space<vmem>>, vector<1x64x1024xf32>
    %get3A_10 = vector.shape_cast %get3A_9 : vector<1x64x1024xf32> to vector<64x1024xf32>
    %mul3A_11 = arith.mulf %get3A_10, %get3A_10 : vector<64x1024xf32>
    %reduce_sum3A_12 = arith.constant dense<0.000000e+00> : vector<1024xf32>
    %reduce_sum3A_13 = vector.multi_reduction <add>, %mul3A_11, %reduce_sum3A_12 [0] : vector<64x1024xf32> to vector<1024xf32>
    %broadcast_in_dim3A_14 = vector.shape_cast %reduce_sum3A_13 : vector<1024xf32> to vector<1x1024xf32>
    %mul3A_15 = arith.constant 5.000000e-01 : f32
    %mul3A_16 = vector.broadcast %mul3A_15 : f32 to vector<1x1024xf32>
    %mul3A_17 = arith.mulf %broadcast_in_dim3A_14, %mul3A_16 : vector<1x1024xf32>
    %dot_general3A = arith.constant dense<0.000000e+00> : vector<1024x1024xf32>
    %dot_general3A_18 = tpu.matmul %get3A_1, %get3A_10, %dot_general3A {dimension_numbers = #tpu.dot_dimension_numbers<[1], [0], [0], [1], [0, 0, 1, 1], [], []>, transpose_lhs_hint = false} : vector<1024x64xf32>, vector<64x1024xf32>, vector<1024x1024xf32> -> vector<1024x1024xf32>
    %add3A = vector.broadcast %mul3A_17 : vector<1x1024xf32> to vector<1024x1024xf32>
    %add3A_19 = vector.broadcast %mul3A_5 : vector<1024x1xf32> to vector<1024x1024xf32>
    %add3A_20 = arith.addf %add3A, %add3A_19 : vector<1024x1024xf32>
    %sub3A = arith.subf %add3A_20, %dot_general3A_18 : vector<1024x1024xf32>
    %reduce_min3A = arith.constant dense<0x7F800000> : vector<1024xf32>
    %reduce_min3A_21 = vector.multi_reduction <minimumf>, %sub3A, %reduce_min3A [0] : vector<1024x1024xf32> to vector<1024xf32>
    %broadcast_in_dim3A_22 = vector.shape_cast %reduce_min3A_21 : vector<1024xf32> to vector<1x1024xf32>
    %iota3A = tpu.iota {dimensions = array<i32: 0>} : vector<1024x1024xi32>
    %eq3A = vector.broadcast %broadcast_in_dim3A_22 : vector<1x1024xf32> to vector<1024x1024xf32>
    %eq3A_23 = arith.cmpf oeq, %sub3A, %eq3A : vector<1024x1024xf32>
    %jit3A = arith.constant 1024 : i32
    %broadcast_in_dim3A_24 = vector.broadcast %jit3A : i32 to vector<1024x1024xi32>
    %select_n3A = arith.select %eq3A_23, %iota3A, %broadcast_in_dim3A_24 : vector<1024x1024xi1>, vector<1024x1024xi32>
    %reduce_min3A_25 = arith.constant dense<2147483647> : vector<1024xi32>
    %reduce_min3A_26 = vector.multi_reduction <minsi>, %select_n3A, %reduce_min3A_25 [0] : vector<1024x1024xi32> to vector<1024xi32>
    %swap3A = arith.constant 0 : index
    %swap3A_27 = arith.constant 0 : index
    %swap3A_28 = arith.constant 0 : index
    %swap3A_29 = vector.load %arg3[%swap3A, %swap3A_27, %swap3A_28] : memref<4x1x1024xi32, #tpu.memory_space<vmem>>, vector<1x1x1024xi32>
    %swap3A_30 = vector.shape_cast %swap3A_29 : vector<1x1x1024xi32> to vector<1024xi32>
    %swap3A_31 = vector.shape_cast %reduce_min3A_26 : vector<1024xi32> to vector<1x1x1024xi32>
    tpu.vector_store %arg3[%swap3A, %swap3A_27, %swap3A_28], %swap3A_31 {strides = array<i32>} : memref<4x1x1024xi32, #tpu.memory_space<vmem>>, vector<1x1x1024xi32>,
    %reduce_sum3A_32 = vector.shape_cast %broadcast_in_dim3A_22 : vector<1x1024xf32> to vector<1x1x1024xf32>
    %reduce_sum3A_33 = arith.constant dense<0.000000e+00> : vector<1xf32>
    %reduce_sum3A_34 = vector.multi_reduction <add>, %reduce_sum3A_32, %reduce_sum3A_33 [1, 2] : vector<1x1x1024xf32> to vector<1xf32>
    %reduce_sum3A_35 = vector.shape_cast %reduce_sum3A_34 : vector<1xf32> to vector<1x1x1xf32>
    %reduce_sum3A_36 = vector.extract %reduce_sum3A_35[0, 0, 0] : f32 from vector<1x1x1xf32>
    %add3A_37 = arith.constant 0.000000e+00 : f32
    %add3A_38 = arith.addf %add3A_37, %reduce_sum3A_36 : f32
    %get3A_39 = arith.constant 1 : index
    %get3A_40 = arith.constant 0 : index
    %get3A_41 = arith.constant 0 : index
    %get3A_42 = vector.load %arg1[%get3A_39, %get3A_40, %get3A_41] : memref<4x64x1024xf32, #tpu.memory_space<vmem>>, vector<1x64x1024xf32>
    %get3A_43 = vector.shape_cast %get3A_42 : vector<1x64x1024xf32> to vector<64x1024xf32>
    %mul3A_44 = arith.mulf %get3A_43, %get3A_43 : vector<64x1024xf32>
    %reduce_sum3A_45 = arith.constant dense<0.000000e+00> : vector<1024xf32>
    %reduce_sum3A_46 = vector.multi_reduction <add>, %mul3A_44, %reduce_sum3A_45 [0] : vector<64x1024xf32> to vector<1024xf32>
    %broadcast_in_dim3A_47 = vector.shape_cast %reduce_sum3A_46 : vector<1024xf32> to vector<1x1024xf32>
    %mul3A_48 = arith.constant 5.000000e-01 : f32
    %mul3A_49 = vector.broadcast %mul3A_48 : f32 to vector<1x1024xf32>
    %mul3A_50 = arith.mulf %broadcast_in_dim3A_47, %mul3A_49 : vector<1x1024xf32>
    %dot_general3A_51 = arith.constant dense<0.000000e+00> : vector<1024x1024xf32>
    %dot_general3A_52 = tpu.matmul %get3A_1, %get3A_43, %dot_general3A_51 {dimension_numbers = #tpu.dot_dimension_numbers<[1], [0], [0], [1], [0, 0, 1, 1], [], []>, transpose_lhs_hint = false} : vector<1024x64xf32>, vector<64x1024xf32>, vector<1024x1024xf32> -> vector<1024x1024xf32>
    %add3A_53 = vector.broadcast %mul3A_50 : vector<1x1024xf32> to vector<1024x1024xf32>
    %add3A_54 = vector.broadcast %mul3A_5 : vector<1024x1xf32> to vector<1024x1024xf32>
    %add3A_55 = arith.addf %add3A_53, %add3A_54 : vector<1024x1024xf32>
    %sub3A_56 = arith.subf %add3A_55, %dot_general3A_52 : vector<1024x1024xf32>
    %reduce_min3A_57 = arith.constant dense<0x7F800000> : vector<1024xf32>
    %reduce_min3A_58 = vector.multi_reduction <minimumf>, %sub3A_56, %reduce_min3A_57 [0] : vector<1024x1024xf32> to vector<1024xf32>
    %broadcast_in_dim3A_59 = vector.shape_cast %reduce_min3A_58 : vector<1024xf32> to vector<1x1024xf32>
    %iota3A_60 = tpu.iota {dimensions = array<i32: 0>} : vector<1024x1024xi32>
    %eq3A_61 = vector.broadcast %broadcast_in_dim3A_59 : vector<1x1024xf32> to vector<1024x1024xf32>
    %eq3A_62 = arith.cmpf oeq, %sub3A_56, %eq3A_61 : vector<1024x1024xf32>
    %jit3A_63 = arith.constant 1024 : i32
    %broadcast_in_dim3A_64 = vector.broadcast %jit3A_63 : i32 to vector<1024x1024xi32>
    %select_n3A_65 = arith.select %eq3A_62, %iota3A_60, %broadcast_in_dim3A_64 : vector<1024x1024xi1>, vector<1024x1024xi32>
    %reduce_min3A_66 = arith.constant dense<2147483647> : vector<1024xi32>
    %reduce_min3A_67 = vector.multi_reduction <minsi>, %select_n3A_65, %reduce_min3A_66 [0] : vector<1024x1024xi32> to vector<1024xi32>
    %swap3A_68 = arith.constant 1 : index
    %swap3A_69 = arith.constant 0 : index
    %swap3A_70 = arith.constant 0 : index
    %swap3A_71 = vector.load %arg3[%swap3A_68, %swap3A_69, %swap3A_70] : memref<4x1x1024xi32, #tpu.memory_space<vmem>>, vector<1x1x1024xi32>
    %swap3A_72 = vector.shape_cast %swap3A_71 : vector<1x1x1024xi32> to vector<1024xi32>
    %swap3A_73 = vector.shape_cast %reduce_min3A_67 : vector<1024xi32> to vector<1x1x1024xi32>
    tpu.vector_store %arg3[%swap3A_68, %swap3A_69, %swap3A_70], %swap3A_73 {strides = array<i32>} : memref<4x1x1024xi32, #tpu.memory_space<vmem>>, vector<1x1x1024xi32>,
    %reduce_sum3A_74 = vector.shape_cast %broadcast_in_dim3A_59 : vector<1x1024xf32> to vector<1x1x1024xf32>
    %reduce_sum3A_75 = arith.constant dense<0.000000e+00> : vector<1xf32>
    %reduce_sum3A_76 = vector.multi_reduction <add>, %reduce_sum3A_74, %reduce_sum3A_75 [1, 2] : vector<1x1x1024xf32> to vector<1xf32>
    %reduce_sum3A_77 = vector.shape_cast %reduce_sum3A_76 : vector<1xf32> to vector<1x1x1xf32>
    %reduce_sum3A_78 = vector.extract %reduce_sum3A_77[0, 0, 0] : f32 from vector<1x1x1xf32>
    %add3A_79 = arith.addf %add3A_38, %reduce_sum3A_78 : f32
    %get3A_80 = arith.constant 2 : index
    %get3A_81 = arith.constant 0 : index
    %get3A_82 = arith.constant 0 : index
    %get3A_83 = vector.load %arg1[%get3A_80, %get3A_81, %get3A_82] : memref<4x64x1024xf32, #tpu.memory_space<vmem>>, vector<1x64x1024xf32>
    %get3A_84 = vector.shape_cast %get3A_83 : vector<1x64x1024xf32> to vector<64x1024xf32>
    %mul3A_85 = arith.mulf %get3A_84, %get3A_84 : vector<64x1024xf32>
    %reduce_sum3A_86 = arith.constant dense<0.000000e+00> : vector<1024xf32>
    %reduce_sum3A_87 = vector.multi_reduction <add>, %mul3A_85, %reduce_sum3A_86 [0] : vector<64x1024xf32> to vector<1024xf32>
    %broadcast_in_dim3A_88 = vector.shape_cast %reduce_sum3A_87 : vector<1024xf32> to vector<1x1024xf32>
    %mul3A_89 = arith.constant 5.000000e-01 : f32
    %mul3A_90 = vector.broadcast %mul3A_89 : f32 to vector<1x1024xf32>
    %mul3A_91 = arith.mulf %broadcast_in_dim3A_88, %mul3A_90 : vector<1x1024xf32>
    %dot_general3A_92 = arith.constant dense<0.000000e+00> : vector<1024x1024xf32>
    %dot_general3A_93 = tpu.matmul %get3A_1, %get3A_84, %dot_general3A_92 {dimension_numbers = #tpu.dot_dimension_numbers<[1], [0], [0], [1], [0, 0, 1, 1], [], []>, transpose_lhs_hint = false} : vector<1024x64xf32>, vector<64x1024xf32>, vector<1024x1024xf32> -> vector<1024x1024xf32>
    %add3A_94 = vector.broadcast %mul3A_91 : vector<1x1024xf32> to vector<1024x1024xf32>
    %add3A_95 = vector.broadcast %mul3A_5 : vector<1024x1xf32> to vector<1024x1024xf32>
    %add3A_96 = arith.addf %add3A_94, %add3A_95 : vector<1024x1024xf32>
    %sub3A_97 = arith.subf %add3A_96, %dot_general3A_93 : vector<1024x1024xf32>
    %reduce_min3A_98 = arith.constant dense<0x7F800000> : vector<1024xf32>
    %reduce_min3A_99 = vector.multi_reduction <minimumf>, %sub3A_97, %reduce_min3A_98 [0] : vector<1024x1024xf32> to vector<1024xf32>
    %broadcast_in_dim3A_100 = vector.shape_cast %reduce_min3A_99 : vector<1024xf32> to vector<1x1024xf32>
    %iota3A_101 = tpu.iota {dimensions = array<i32: 0>} : vector<1024x1024xi32>
    %eq3A_102 = vector.broadcast %broadcast_in_dim3A_100 : vector<1x1024xf32> to vector<1024x1024xf32>
    %eq3A_103 = arith.cmpf oeq, %sub3A_97, %eq3A_102 : vector<1024x1024xf32>
    %jit3A_104 = arith.constant 1024 : i32
    %broadcast_in_dim3A_105 = vector.broadcast %jit3A_104 : i32 to vector<1024x1024xi32>
    %select_n3A_106 = arith.select %eq3A_103, %iota3A_101, %broadcast_in_dim3A_105 : vector<1024x1024xi1>, vector<1024x1024xi32>
    %reduce_min3A_107 = arith.constant dense<2147483647> : vector<1024xi32>
    %reduce_min3A_108 = vector.multi_reduction <minsi>, %select_n3A_106, %reduce_min3A_107 [0] : vector<1024x1024xi32> to vector<1024xi32>
    %swap3A_109 = arith.constant 2 : index
    %swap3A_110 = arith.constant 0 : index
    %swap3A_111 = arith.constant 0 : index
    %swap3A_112 = vector.load %arg3[%swap3A_109, %swap3A_110, %swap3A_111] : memref<4x1x1024xi32, #tpu.memory_space<vmem>>, vector<1x1x1024xi32>
    %swap3A_113 = vector.shape_cast %swap3A_112 : vector<1x1x1024xi32> to vector<1024xi32>
    %swap3A_114 = vector.shape_cast %reduce_min3A_108 : vector<1024xi32> to vector<1x1x1024xi32>
    tpu.vector_store %arg3[%swap3A_109, %swap3A_110, %swap3A_111], %swap3A_114 {strides = array<i32>} : memref<4x1x1024xi32, #tpu.memory_space<vmem>>, vector<1x1x1024xi32>,
    %reduce_sum3A_115 = vector.shape_cast %broadcast_in_dim3A_100 : vector<1x1024xf32> to vector<1x1x1024xf32>
    %reduce_sum3A_116 = arith.constant dense<0.000000e+00> : vector<1xf32>
    %reduce_sum3A_117 = vector.multi_reduction <add>, %reduce_sum3A_115, %reduce_sum3A_116 [1, 2] : vector<1x1x1024xf32> to vector<1xf32>
    %reduce_sum3A_118 = vector.shape_cast %reduce_sum3A_117 : vector<1xf32> to vector<1x1x1xf32>
    %reduce_sum3A_119 = vector.extract %reduce_sum3A_118[0, 0, 0] : f32 from vector<1x1x1xf32>
    %add3A_120 = arith.addf %add3A_79, %reduce_sum3A_119 : f32
    %get3A_121 = arith.constant 3 : index
    %get3A_122 = arith.constant 0 : index
    %get3A_123 = arith.constant 0 : index
    %get3A_124 = vector.load %arg1[%get3A_121, %get3A_122, %get3A_123] : memref<4x64x1024xf32, #tpu.memory_space<vmem>>, vector<1x64x1024xf32>
    %get3A_125 = vector.shape_cast %get3A_124 : vector<1x64x1024xf32> to vector<64x1024xf32>
    %mul3A_126 = arith.mulf %get3A_125, %get3A_125 : vector<64x1024xf32>
    %reduce_sum3A_127 = arith.constant dense<0.000000e+00> : vector<1024xf32>
    %reduce_sum3A_128 = vector.multi_reduction <add>, %mul3A_126, %reduce_sum3A_127 [0] : vector<64x1024xf32> to vector<1024xf32>
    %broadcast_in_dim3A_129 = vector.shape_cast %reduce_sum3A_128 : vector<1024xf32> to vector<1x1024xf32>
    %mul3A_130 = arith.constant 5.000000e-01 : f32
    %mul3A_131 = vector.broadcast %mul3A_130 : f32 to vector<1x1024xf32>
    %mul3A_132 = arith.mulf %broadcast_in_dim3A_129, %mul3A_131 : vector<1x1024xf32>
    %dot_general3A_133 = arith.constant dense<0.000000e+00> : vector<1024x1024xf32>
    %dot_general3A_134 = tpu.matmul %get3A_1, %get3A_125, %dot_general3A_133 {dimension_numbers = #tpu.dot_dimension_numbers<[1], [0], [0], [1], [0, 0, 1, 1], [], []>, transpose_lhs_hint = false} : vector<1024x64xf32>, vector<64x1024xf32>, vector<1024x1024xf32> -> vector<1024x1024xf32>
    %add3A_135 = vector.broadcast %mul3A_132 : vector<1x1024xf32> to vector<1024x1024xf32>
    %add3A_136 = vector.broadcast %mul3A_5 : vector<1024x1xf32> to vector<1024x1024xf32>
    %add3A_137 = arith.addf %add3A_135, %add3A_136 : vector<1024x1024xf32>
    %sub3A_138 = arith.subf %add3A_137, %dot_general3A_134 : vector<1024x1024xf32>
    %reduce_min3A_139 = arith.constant dense<0x7F800000> : vector<1024xf32>
    %reduce_min3A_140 = vector.multi_reduction <minimumf>, %sub3A_138, %reduce_min3A_139 [0] : vector<1024x1024xf32> to vector<1024xf32>
    %broadcast_in_dim3A_141 = vector.shape_cast %reduce_min3A_140 : vector<1024xf32> to vector<1x1024xf32>
    %iota3A_142 = tpu.iota {dimensions = array<i32: 0>} : vector<1024x1024xi32>
    %eq3A_143 = vector.broadcast %broadcast_in_dim3A_141 : vector<1x1024xf32> to vector<1024x1024xf32>
    %eq3A_144 = arith.cmpf oeq, %sub3A_138, %eq3A_143 : vector<1024x1024xf32>
    %jit3A_145 = arith.constant 1024 : i32
    %broadcast_in_dim3A_146 = vector.broadcast %jit3A_145 : i32 to vector<1024x1024xi32>
    %select_n3A_147 = arith.select %eq3A_144, %iota3A_142, %broadcast_in_dim3A_146 : vector<1024x1024xi1>, vector<1024x1024xi32>
    %reduce_min3A_148 = arith.constant dense<2147483647> : vector<1024xi32>
    %reduce_min3A_149 = vector.multi_reduction <minsi>, %select_n3A_147, %reduce_min3A_148 [0] : vector<1024x1024xi32> to vector<1024xi32>
    %swap3A_150 = arith.constant 3 : index
    %swap3A_151 = arith.constant 0 : index
    %swap3A_152 = arith.constant 0 : index
    %swap3A_153 = vector.load %arg3[%swap3A_150, %swap3A_151, %swap3A_152] : memref<4x1x1024xi32, #tpu.memory_space<vmem>>, vector<1x1x1024xi32>
    %swap3A_154 = vector.shape_cast %swap3A_153 : vector<1x1x1024xi32> to vector<1024xi32>
    %swap3A_155 = vector.shape_cast %reduce_min3A_149 : vector<1024xi32> to vector<1x1x1024xi32>
    tpu.vector_store %arg3[%swap3A_150, %swap3A_151, %swap3A_152], %swap3A_155 {strides = array<i32>} : memref<4x1x1024xi32, #tpu.memory_space<vmem>>, vector<1x1x1024xi32>,
    %reduce_sum3A_156 = vector.shape_cast %broadcast_in_dim3A_141 : vector<1x1024xf32> to vector<1x1x1024xf32>
    %reduce_sum3A_157 = arith.constant dense<0.000000e+00> : vector<1xf32>
    %reduce_sum3A_158 = vector.multi_reduction <add>, %reduce_sum3A_156, %reduce_sum3A_157 [1, 2] : vector<1x1x1024xf32> to vector<1xf32>
    %reduce_sum3A_159 = vector.shape_cast %reduce_sum3A_158 : vector<1xf32> to vector<1x1x1xf32>
    %reduce_sum3A_160 = vector.extract %reduce_sum3A_159[0, 0, 0] : f32 from vector<1x1x1xf32>
    %add3A_161 = arith.addf %add3A_120, %reduce_sum3A_160 : f32
    %reshape3A = vector.broadcast %add3A_161 : f32 to vector<1x1x1xf32>
    %swap3A_162 = arith.constant 0 : index
    %swap3A_163 = arith.constant 0 : index
    %swap3A_164 = arith.constant 0 : index
    %swap3A_165 = vector.load %arg4[%swap3A_162, %swap3A_163, %swap3A_164] : memref<1x1x1xf32, #tpu.memory_space<vmem>>, vector<1x1x1xf32>
    tpu.vector_store %arg4[%swap3A_162, %swap3A_163, %swap3A_164], %reshape3A {strides = array<i32>} : memref<1x1x1xf32, #tpu.memory_space<vmem>>, vector<1x1x1xf32>,
    return
  }
  func.func @transform_0(%arg0: i32) -> (i32, i32, i32) {
    %c0_i32 = arith.constant 0 : i32
    %c0_i32_0 = arith.constant 0 : i32
    %c0_i32_1 = arith.constant 0 : i32
    return %arg0, %c0_i32, %c0_i32_0 : i32, i32, i32
  }
  func.func @transform_1(%arg0: i32) -> (i32, i32) {
    %c0_i32 = arith.constant 0 : i32
    %c0_i32_0 = arith.constant 0 : i32
    %c0_i32_1 = arith.constant 0 : i32
    return %c0_i32, %c0_i32_0 : i32, i32
  }
  func.func @transform_2(%arg0: i32) -> (i32, i32, i32) {
    %c0_i32 = arith.constant 0 : i32
    %c0_i32_0 = arith.constant 0 : i32
    %c0_i32_1 = arith.constant 0 : i32
    return %arg0, %c0_i32, %c0_i32_0 : i32, i32, i32
  }
  func.func @transform_3(%arg0: i32) -> (i32, i32, i32) {
    %c0_i32 = arith.constant 0 : i32
    %c0_i32_0 = arith.constant 0 : i32
    %c0_i32_1 = arith.constant 0 : i32
    return %arg0, %c0_i32, %c0_i32_0 : i32, i32, i32
  }
}

</mosaic_0001>

<sc_bundles>
// kernel: kernel.4.cloned.1.call-start
scs
__scs_entry_jumppad:
0x0: {  	(pc) =	sbr.rel $0x88, $3  }
0x1: {  	(tag) =	ssettag $0x0;
	lr =	simm.s32 $0x1  }
0x2: {  	[smem:$0x3F9F] =	sst lr;
	_ =	strace $0xD0000000  }
0x3: {  	_ = 	snop  }
0x4: {  	_ = 	snop  }
0x5: {  	_ = 	snop  }
0x6: {  	_ = 	snop  }
0x7: {  	_ = 	snop  }
__scs_overlays_trampoline_lowered:
0x8: {  	[smem:$0x3FAE] =	sst s0  }
0x9: {  	[smem:$0x3FAF] =	sst s1  }
0xa: {  	[smem:$0x3FB0] =	sst s2  }
0xb: {  	[smem:$0x3FB1] =	sst s3  }
0xc: {  	[smem:$0x3FB2] =	sst s4  }
0xd: {  	[smem:$0x3FB3] =	sst s5  }
0xe: {  	[smem:$0x3FB4] =	sst s6  }
0xf: {  	[smem:$0x3FB5] =	sst s7  }
0x10: {  	[smem:$0x3FB6] =	sst s8  }
0x11: {  	[smem:$0x3FB7] =	sst s9;
	s0 =	simm.s32 @!p0 $0x0  }
0x12: {  	s1 =	sld [smem:$0x3F9D];
	s0 =	simm.s32 @p0 $0x1  }
0x13: {  	[smem:$0x3FB8] =	sst s0;
	s0 =	simm.s32 @!p1 $0x0  }
0x14: {  	s2 =	sld [smem:$0x3F9C];
	s0 =	simm.s32 @p1 $0x1  }
0x15: {  	[smem:$0x3FB9] =	sst s0;
	s0 =	simm.s32 @!p2 $0x0  }
0x16: {  	s3 =	sld [smem:$0x3FDB];
	s0 =	simm.s32 @p2 $0x1  }
0x17: {  	s4 =	simm.s32 $0x1BF5;
	[smem:$0x3FBB] =	sst s0  }
0x18: {  	s0 =	sld [smem:$0x3F9E];
	_ =	swait.ge [sflag:s4], $0x0  }
0x19: {  	s7 =	sld [smem:$0x3F9F]  }
0x1a: {  	s8 =	sadd.s32 $0xFFFFE003, lr  }
0x1b: {  	s9 =	sadd.s32 $0xFFFFFEF7, lr;
	s5 =	simm.s32 $0xFFFFFFFF;
	p2 =	slt.u32 s8, $0xFFFFF086  }
0x1c: {  	p1 =	slt.u32 s9, $0xF7A;
	s5 =	simm.s32 @!p2 $0x0  }
0x1d: {  	s5 =	simm.s32 @p1 $0x1;
	p0 =	seq.s32 s7, s2  }
0x1e: {  	s7 =	smul.u32 @!p0 $0xF7A, s2;
	p2 =	seq.s32 @!p0 s5, $0x0  }
0x1f: {  	s9 =	smul.u32 $0xF7A, s1;
	s8 =	simm.s32 @!p0 $0x1BF5;
	p2 =	por !p2, p0  }
0x20: {  	[sflag:s8] =	ssyncset.s32 @!p0 $0xFFFFF086;
	s6 =	sadd.s32 @!p0 s3, s7;
	s7 =	simm.s32 @!p0 $0x108  }
0x21: {  	s3 =	sadd.s32 s3, s9;
	s6 =	sadd.s32 @!p0 $0x88, s6;
	s7 =	simm.s32 @p2 $0x1082  }
0x22: {  	[simem:s7], [sflag:s8] =	dma.local @!p0 [hbm:s6], $0xF7A  }
0x23: {  	s9 =	sor.u32 $0xD0000000, s2;
	s6 =	simm.s32 $0x108;
	_ =	swait.ge @!p0 [sflag:s8], $0x0  }
0x24: {  	s3 =	sadd.s32 $0x88, s3;
	s6 =	simm.s32 @!p1 $0x1082;
	[sflag:s4] =	ssyncset.s32 $0xFFFFF086  }
0x25: {  	[simem:s6], [sflag:s4] =	dma.local [hbm:s3], $0xF7A  }
0x26: {  	[smem:$0x3F9F] =	sst s1;
	(tag) =	ssettag s2;
	_ =	strace s9  }
0x27: {  	s1 =	sld [smem:$0x3FAF]  }
0x28: {  	s2 =	sld [smem:$0x3FB0]  }
0x29: {  	s4 =	sld [smem:$0x3FB2]  }
0x2a: {  	p0 =	seq.s32 s5, $0x0;
	s5 =	sld [smem:$0x3FB3]  }
0x2b: {  	s6 =	sld [smem:$0x3FB4]  }
0x2c: {  	s7 =	sld [smem:$0x3FB5]  }
0x2d: {  	s3 =	simm.s32 $0x108;
	s8 =	sld [smem:$0x3FB6]  }
0x2e: {  	s3 =	simm.s32 @!p0 $0x1082;
	s9 =	sld [smem:$0x3FB7]  }
0x2f: {  	lr =	sadd.s32 s0, s3;
	s0 =	sld [smem:$0x3FAE]  }
0x30: {  	s3 =	sld [smem:$0x3FB1]  }
0x31: {  	[smem:$0x3FBA] =	sst s10  }
0x32: {  	s10 =	sld [smem:$0x3FB8];
	_ =	sdelay $0x3  }
0x33: {  	p0 =	seq.s32 s10, $0x1;
	s10 =	sld [smem:$0x3FBA];
	_ =	sdelay $0x3  }
0x34: {  	[smem:$0x3FBA] =	sst s10  }
0x35: {  	s10 =	sld [smem:$0x3FB9];
	_ =	sdelay $0x3  }
0x36: {  	p1 =	seq.s32 s10, $0x1;
	s10 =	sld [smem:$0x3FBA];
	_ =	sdelay $0x3  }
0x37: {  	[smem:$0x3FBA] =	sst s10  }
0x38: {  	s10 =	sld [smem:$0x3FBB]  }
0x39: {  	_ = 	snop;
	(pc) =	sbr.ind lr, $3  }
0x3a: {  	_ = 	snop  }
0x3b: {  	_ = 	snop  }
0x3c: {  	p2 =	seq.s32 s10, $0x1;
	s10 =	sld [smem:$0x3FBA]  }
0x3d: {  	_ =	shalt  }
0x3e: {  	_ =	shalt  }
0x3f: {  	_ =	shalt  }
0x40: {  	_ =	shalt  }
0x41: {  	_ =	shalt  }
0x42: {  	_ =	shalt  }
0x43: {  	_ =	shalt  }
0x44: {  	_ =	shalt  }
0x45: {  	_ =	shalt  }
0x46: {  	_ =	shalt  }
0x47: {  	_ =	shalt  }
0x48: {  	_ =	shalt  }
0x49: {  	_ =	shalt  }
0x4a: {  	_ =	shalt  }
0x4b: {  	_ =	shalt  }
0x4c: {  	_ =	shalt  }
0x4d: {  	_ =	shalt  }
0x4e: {  	_ =	shalt  }
0x4f: {  	_ =	shalt  }
0x50: {  	_ =	shalt  }
0x51: {  	_ =	shalt  }
0x52: {  	_ =	shalt  }
0x53: {  	_ =	shalt  }
0x54: {  	_ =	shalt  }
0x55: {  	_ =	shalt  }
0x56: {  	_ =	shalt  }
0x57: {  	_ =	shalt  }
0x58: {  	_ =	shalt  }
0x59: {  	_ =	shalt  }
0x5a: {  	_ =	shalt  }
0x5b: {  	_ =	shalt  }
0x5c: {  	_ =	shalt  }
0x5d: {  	_ =	shalt  }
0x5e: {  	_ =	shalt  }
0x5f: {  	_ =	shalt  }
0x60: {  	_ =	shalt  }
0x61: {  	_ =	shalt  }
0x62: {  	_ =	shalt  }
0x63: {  	_ =	shalt  }
0x64: {  	_ =	shalt  }
0x65: {  	_ =	shalt  }
0x66: {  	_ =	shalt  }
0x67: {  	_ =	shalt  }
0x68: {  	_ =	shalt  }
0x69: {  	_ =	shalt  }
0x6a: {  	_ =	shalt  }
0x6b: {  	_ =	shalt  }
0x6c: {  	_ =	shalt  }
0x6d: {  	_ =	shalt  }
0x6e: {  	_ =	shalt  }
0x6f: {  	_ =	shalt  }
0x70: {  	_ =	shalt  }
0x71: {  	_ =	shalt  }
0x72: {  	_ =	shalt  }
0x73: {  	_ =	shalt  }
0x74: {  	_ =	shalt  }
0x75: {  	_ =	shalt  }
0x76: {  	_ =	shalt  }
0x77: {  	_ =	shalt  }
0x78: {  	_ =	shalt  }
0x79: {  	_ =	shalt  }
0x7a: {  	_ =	shalt  }
0x7b: {  	_ =	shalt  }
0x7c: {  	_ =	shalt  }
0x7d: {  	_ =	shalt  }
0x7e: {  	_ =	shalt  }
0x7f: {  	_ =	shalt  }
0x80: {  	_ =	shalt  }
0x81: {  	_ =	shalt  }
0x82: {  	_ =	shalt  }
0x83: {  	_ =	shalt  }
0x84: {  	_ =	shalt  }
0x85: {  	_ =	shalt  }
0x86: {  	_ =	shalt  }
0x87: {  	_ =	shalt  }
.Lfunc_end0:
.L_simem_size_0:
called_computation_lowered:
.L_overlay_start_0:
0x88: {  	s2 =	sld [smem:$0x3FD9]  }
0x89: {  	s3 =	sld [smem:$0x3FFE];
	_ =	sdelay $0x1  }
0x8a: {  	s1 =	srdreg.scid  }
0x8b: {  	s0 =	sand.u32 $0x1, s1  }
0x8c: {  	s14 =	sshll.u32 s0, $0xA;
	s2 =	sadd.s32 s3, s2  }
0x8d: {  	s2 =	sadd.s32 s2, s14  }
0x8e: {  	[smem:$0x3FC6] =	sst s2  }
0x8f: {  	_ = 	snop  }
0x90: {  	s2 =	sld [smem:$0x3FD0];
	_ =	sdelay $0x2  }
0x91: {  	s4 =	simm.s32 $0xA;
	s5 =	simm.s32 $0x10;
	s15 =	sld [smem:$0x3FC8]  }
0x92: {  	[smem:s5], [sflag:s4] =	dma.local [hbm:s2], $0x1  }
0x93: {  	_ =	swait.eq [sflag:s4], $0x1  }
0x94: {  	[sflag:s4] =	ssyncset.done $0x0  }
0x95: {  	[sflag:s4] =	ssyncadd.s32 $0xFFFFFFFF  }
0x96: {  	s16 =	sld [smem:$0x10];
	(tm) =	ssettm $0x1  }
0x97: {  	s17 =	sld [smem:$0x3FFB];
	_ =	sdelay $0x3  }
0x98: {  	_ =	strace s17  }
0x99: {  	s4 =	sld [smem:$0x3FFC];
	_ =	sdelay $0x3  }
0x9a: {  	_ =	strace s4  }
0x9b: {  	s4 =	sld [smem:$0x3FFD];
	_ =	sdelay $0x3  }
0x9c: {  	_ =	strace s4  }
0x9d: {  	_ =	strace $0x8FFFFFFF  }
0x9e: {  	s18 =	sld [smem:$0x3FDB];
	_ =	sdelay $0x1  }
0x9f: {  	s19 =	simm.s32 $_scs_section_size  }
0xa0: {  	s6 =	simm.s32 $_size__tile_overlayer_lowered;
	s7 =	simm.s32 $_tile_overlayer_lowered  }
0xa1: {  	s22 =	simm.s32 $0x1BFF;
	s21 =	sshll.u32 s7, $0x1;
	s4 =	sadd.s32 s19, s18  }
0xa2: {  	s8 =	simm.s32 $0x0;
	s20 =	sshll.u32 s6, $0x1;
	s6 =	sadd.s32 s21, s4  }
0xa3: {  	[timem:s8], [sflag:s22] =	dma.local [hbm:s6], s20  }
0xa4: {  	_ =	swait.ge [sflag:s22], s20  }
0xa5: {  	s5 =	ssub.s32 $0x0, s20;
	[sflag:s22] =	ssyncset.done $0x0  }
0xa6: {  	[sflag:s22] =	ssyncadd.s32 s5;
	_ =	sdelay $0x1  }
0xa7: {  	s23 =	simm.s32 $0x1B8B  }
0xa8: {  	_ =	swait.ge [sflag:s23], $0x1  }
0xa9: {  	[sflag:s23] =	ssyncset.done $0x0  }
0xaa: {  	s25 =	simm.s32 $0x1B8E;
	s24 =	sld [smem:$0x3FFE];
	[sflag:s23] =	ssyncadd.s32 $0xFFFFFFFF  }
0xab: {  	s26 =	simm.s32 $execute0_lowered;
	[smem:$0x3FD2] =	sst s25  }
0xac: {  	s6 =	sshll.u32 s26, $0x1;
	_ =	strace $0x80000046;
	[dreg:$0x1] =	wrdreg $0xFFFFFFFF  }
0xad: {  	s28 =	simm.s32 $_size_execute0_lowered;
	s4 =	sadd.s32 s4, s6;
	[dreg:$0x0] =	wrdreg $0x0  }
0xae: {  	s6 =	sshll.u32 s28, $0x1;
	[dreg:$0x2] =	wrdreg s4  }
0xaf: {  	[dreg:$0x3] =	wrdreg s6  }
0xb0: {  	[dreg:$0x4] =	wrdreg $0xC0  }
0xb1: {  	_ =	task [dreg:s8], $0x5FFFF  }
0xb2: {  	[dreg:$0x1] =	wrdreg $0xFFFFFFFF  }
0xb3: {  	[dreg:$0x0] =	wrdreg $0x60  }
0xb4: {  	[dreg:$0x2] =	wrdreg s15  }
0xb5: {  	[dreg:$0x3] =	wrdreg s16  }
0xb6: {  	[dreg:$0x4] =	wrdreg s24  }
0xb7: {  	[dreg:$0x5] =	wrdreg $0x9  }
0xb8: {  	_ =	task.clear_ibuf [dreg:s8], $0x6FFFF;
	_ =	strace $0x90000046  }
0xb9: {  	s29 =	simm.s32 $0x9;
	_ =	strace $0x80000048  }
0xba: {  	_ =	swait.ge [sflag:s29], $0x1  }
0xbb: {  	[sflag:s29] =	ssyncadd.s32 $0xFFFFFFFF  }
0xbc: {  	_ =	strace $0x90000048  }
0xbd: {  	_ =	sfence  }
0xbe: {  	s30 =	sld [smem:$0x0];
	_ =	sdelay $0x2  }
0xbf: {  	s31 =	sshll.u32 s1, $0xD;
	s1 =	sshrl.u32 s1, $0x2  }
0xc0: {  	s3 =	sand.u32 $0x4000, s31;
	s1 =	sadd.s32 s1, s30  }
0xc1: {  	s0 =	sor.u32 s3, s0;
	s1 =	sshll.u32 s1, $0x11  }
0xc2: {  	s0 =	sor.u32 s1, s0  }
0xc3: {  	s0 =	sadd.s32 $0x8F2B, s0  }
0xc4: {  	[sflag:s0] =	ssyncadd.remote.s32 $0x1  }
0xc5: {  	_ =	sfence.sel $0xFFFF  }
0xc6: {  	[dreg:$0x0] =	wrdreg $0xFFFFFFFF;
	(pc) =	sbr.abs _section_cstart, $3  }
0xc7: {  	[dreg:$0x1] =	wrdreg $0xFFFFFFFF  }
0xc8: {  	_ =	task.clear_ibuf [dreg:s8], $0x2FFFF;
	_ =	strace $0x9FFFFFFF  }
0xc9: {  	(tm) =	ssettm $0x7FFFFFFF  }
tec
execute0_lowered:
.L_overlay_start_1:
0x0: {  	(tag) =	ssettag $0x1  }
0x1: {  	s1 =	srdreg.scid;
	s4 =	rddreg [dreg:$0x0]  }
0x2: {  	s0 =	stileid.u32;
	s6 =	rddreg [dreg:$0x1];
	s5 =	sand.u32 $0x1, s1  }
0x3: {  	s7 =	rddreg [dreg:$0x2];
	s2 =	simm.s32 $0x0;
	s1 =	sor.u32 s5, s0  }
0x4: {  	s3 =	simm.s32 $0x1;
	p1 =	seq.s32 s5, $0x1;
	p0 =	seq.s32 s1, $0x0  }
0x5: {  	[smem:$0x7FF] =	sst s2;
	s8 =	ssub.s32 $0x2, s5;
	p0 =	por !p0, !p1  }
0x6: {  	s30 =	sshll.u32 s5, $0xF;
	s5 =	sshll.u32 s5, $0xC;
	p0 =	por !p0, !p0  }
0x7: {  	s1 =	rddreg [dreg:$0x3];
	_ =	strace $0x80000047;
	s3 =	simm.s32 @!p0 $0x0  }
0x8: {  	s9 =	sshrl.u32 s8, $0x1;
	s4 =	sadd.s32 s4, s5;
	s10 =	ssub.s32 s0, s3  }
0x9: {  	s8 =	ssub.s32 s8, s9;
	s29 =	sshll.u32 s10, $0xA;
	s11 =	sshll.u32 s10, $0x7  }
0xa: {  	s10 =	sshll.u32 s10, $0x10;
	s9 =	sand.u32 $0xFFFFE000, s29;
	s11 =	sand.u32 $0x380, s11  }
0xb: {  	s3 =	simm.s32 $0x1;
	s10 =	sor.u32 s30, s10;
	s9 =	sor.u32 s11, s9  }
0xc: {  	s31 =	sshrl.u32 s10, $0x3;
	s10 =	simm.s32 $0x8400;
	s9 =	sshrl.u32 s9, $0x3  }
0xd: {  	s11 =	simm.s32 $0x0;
	s5 =	sadd.s32 s6, s9;
	s6 =	sadd.s32 s7, s31  }
0xe: {  	s7 =	smax.u32 s8, $0x1;
	s8 =	simm.s32 $0x80;
	s9 =	simm.s32 $0x400  }
.LBB2_1:
0xf: {  	[tilespmem:s2], [sflag:$0x1] =	stream.linear.gather [hbm4b:s4+s2], $0x8000, $0x38;
	[tilespmem:$0x10400] =	vst v63  }
0x10: {  	_ =	swait.ge [sflag:s3], $0x8000  }
0x11: {  	[sflag:s3] =	ssyncset.done $0x0  }
0x12: {  	s12 =	simm.s32 $0x8000;
	[sflag:s3] =	ssyncadd.s32 $0xFFFF8000  }
0x13: {  	[tilespmem:s12], [sflag:$0x1] =	stream.strided.gather [hbm4b:s5+s8], $0x400, s9, s8, $0x38;
	[tilespmem:$0x10400] =	vst v63  }
0x14: {  	_ =	swait.ge [sflag:s3], $0x400  }
0x15: {  	[sflag:s3] =	ssyncset.done $0x0  }
0x16: {  	[sflag:s3] =	ssyncadd.s32 $0xFFFFFC00  }
0x17: {  	v0 =	vld [tilespmem:s12+$0x0];
	_ =	sdelay $0x4  }
0x18: {  	v1 =	vshll.u32 v0, $0x3  }
0x19: {  	v0 =	vand.u32 $0x7F, v0;
	v1 =	vand.u32 $0xFFFFFC00, v1  }
0x1a: {  	v0 =	vor.u32 v0, v1;
	_ =	sdelay $0x4  }
0x1b: {  	v1 =	vld.idx.msk [tilespmem:v0+s2+$0x0], $0xffff  }
0x1c: {  	v2 =	vor.u32 $0x80, v0;
	_ =	sdelay $0x1  }
0x1d: {  	s13 =	sand.u32 $0x70, s2;
	s14 =	sand.u32 $0x1C00, s2  }
0x1e: {  	s13 =	sor.u32 s13, s14  }
0x1f: {  	[tilespmem:s13+$0x8400] =	vst v1  }
0x20: {  	v1 =	vld.idx.msk [tilespmem:v2+s2+$0x0], $0xffff  }
0x21: {  	v2 =	vor.u32 $0x100, v0;
	_ =	sdelay $0x3  }
0x22: {  	[tilespmem:s13+$0x8480] =	vst v1  }
0x23: {  	v1 =	vld.idx.msk [tilespmem:v2+s2+$0x0], $0xffff  }
0x24: {  	v2 =	vor.u32 $0x180, v0;
	_ =	sdelay $0x3  }
0x25: {  	[tilespmem:s13+$0x8500] =	vst v1  }
0x26: {  	v1 =	vld.idx.msk [tilespmem:v2+s2+$0x0], $0xffff  }
0x27: {  	v2 =	vor.u32 $0x200, v0;
	_ =	sdelay $0x3  }
0x28: {  	[tilespmem:s13+$0x8580] =	vst v1  }
0x29: {  	v1 =	vld.idx.msk [tilespmem:v2+s2+$0x0], $0xffff  }
0x2a: {  	v2 =	vor.u32 $0x280, v0;
	_ =	sdelay $0x3  }
0x2b: {  	[tilespmem:s13+$0x8600] =	vst v1  }
0x2c: {  	v1 =	vld.idx.msk [tilespmem:v2+s2+$0x0], $0xffff  }
0x2d: {  	v2 =	vor.u32 $0x300, v0;
	_ =	sdelay $0x3  }
0x2e: {  	[tilespmem:s13+$0x8680] =	vst v1  }
0x2f: {  	v1 =	vld.idx.msk [tilespmem:v2+s2+$0x0], $0xffff  }
0x30: {  	v2 =	vor.u32 $0x380, v0;
	_ =	sdelay $0x3  }
0x31: {  	[tilespmem:s13+$0x8700] =	vst v1  }
0x32: {  	v1 =	vld.idx.msk [tilespmem:v2+s2+$0x0], $0xffff  }
0x33: {  	v2 =	vadd.s32 $0x2000, v0;
	_ =	sdelay $0x1  }
0x34: {  	s31 =	sor.u32 s2, s2  }
0x35: {  	s14 =	sor.u32 $0x380, s31  }
0x36: {  	[tilespmem:s14+$0x8400] =	vst v1  }
0x37: {  	v1 =	vld.idx.msk [tilespmem:v2+s2+$0x0], $0xffff  }
0x38: {  	v2 =	vadd.s32 $0x2080, v0;
	_ =	sdelay $0x3  }
0x39: {  	[tilespmem:s13+$0xA400] =	vst v1  }
0x3a: {  	v1 =	vld.idx.msk [tilespmem:v2+s2+$0x0], $0xffff  }
0x3b: {  	v2 =	vadd.s32 $0x2100, v0;
	_ =	sdelay $0x3  }
0x3c: {  	[tilespmem:s13+$0xA480] =	vst v1  }
0x3d: {  	v1 =	vld.idx.msk [tilespmem:v2+s2+$0x0], $0xffff  }
0x3e: {  	v2 =	vadd.s32 $0x2180, v0;
	_ =	sdelay $0x3  }
0x3f: {  	[tilespmem:s13+$0xA500] =	vst v1  }
0x40: {  	v1 =	vld.idx.msk [tilespmem:v2+s2+$0x0], $0xffff  }
0x41: {  	v2 =	vadd.s32 $0x2200, v0;
	_ =	sdelay $0x3  }
0x42: {  	[tilespmem:s13+$0xA580] =	vst v1  }
0x43: {  	v1 =	vld.idx.msk [tilespmem:v2+s2+$0x0], $0xffff  }
0x44: {  	v2 =	vadd.s32 $0x2280, v0;
	_ =	sdelay $0x3  }
0x45: {  	[tilespmem:s13+$0xA600] =	vst v1  }
0x46: {  	v1 =	vld.idx.msk [tilespmem:v2+s2+$0x0], $0xffff  }
0x47: {  	v2 =	vadd.s32 $0x2300, v0;
	_ =	sdelay $0x3  }
0x48: {  	[tilespmem:s13+$0xA680] =	vst v1  }
0x49: {  	v1 =	vld.idx.msk [tilespmem:v2+s2+$0x0], $0xffff  }
0x4a: {  	v2 =	vadd.s32 $0x2380, v0;
	_ =	sdelay $0x3  }
0x4b: {  	[tilespmem:s13+$0xA700] =	vst v1  }
0x4c: {  	v1 =	vld.idx.msk [tilespmem:v2+s2+$0x0], $0xffff  }
0x4d: {  	v2 =	vadd.s32 $0x4000, v0;
	_ =	sdelay $0x3  }
0x4e: {  	[tilespmem:s13+$0xA780] =	vst v1  }
0x4f: {  	v1 =	vld.idx.msk [tilespmem:v2+s2+$0x0], $0xffff  }
0x50: {  	v2 =	vadd.s32 $0x4080, v0;
	_ =	sdelay $0x3  }
0x51: {  	[tilespmem:s13+$0xC400] =	vst v1  }
0x52: {  	v1 =	vld.idx.msk [tilespmem:v2+s2+$0x0], $0xffff  }
0x53: {  	v2 =	vadd.s32 $0x4100, v0;
	_ =	sdelay $0x3  }
0x54: {  	[tilespmem:s13+$0xC480] =	vst v1  }
0x55: {  	v1 =	vld.idx.msk [tilespmem:v2+s2+$0x0], $0xffff  }
0x56: {  	v2 =	vadd.s32 $0x4180, v0;
	_ =	sdelay $0x3  }
0x57: {  	[tilespmem:s13+$0xC500] =	vst v1  }
0x58: {  	v1 =	vld.idx.msk [tilespmem:v2+s2+$0x0], $0xffff  }
0x59: {  	v2 =	vadd.s32 $0x4200, v0;
	_ =	sdelay $0x3  }
0x5a: {  	[tilespmem:s13+$0xC580] =	vst v1  }
0x5b: {  	v1 =	vld.idx.msk [tilespmem:v2+s2+$0x0], $0xffff  }
0x5c: {  	v2 =	vadd.s32 $0x4280, v0;
	_ =	sdelay $0x3  }
0x5d: {  	[tilespmem:s13+$0xC600] =	vst v1  }
0x5e: {  	v1 =	vld.idx.msk [tilespmem:v2+s2+$0x0], $0xffff  }
0x5f: {  	v2 =	vadd.s32 $0x4300, v0;
	_ =	sdelay $0x3  }
0x60: {  	[tilespmem:s13+$0xC680] =	vst v1  }
0x61: {  	v1 =	vld.idx.msk [tilespmem:v2+s2+$0x0], $0xffff  }
0x62: {  	v2 =	vadd.s32 $0x4380, v0;
	_ =	sdelay $0x3  }
0x63: {  	[tilespmem:s13+$0xC700] =	vst v1  }
0x64: {  	v1 =	vld.idx.msk [tilespmem:v2+s2+$0x0], $0xffff  }
0x65: {  	v2 =	vadd.s32 $0x6000, v0;
	_ =	sdelay $0x3  }
0x66: {  	[tilespmem:s13+$0xC780] =	vst v1  }
0x67: {  	v1 =	vld.idx.msk [tilespmem:v2+s2+$0x0], $0xffff  }
0x68: {  	v2 =	vadd.s32 $0x6080, v0;
	_ =	sdelay $0x3  }
0x69: {  	[tilespmem:s13+$0xE400] =	vst v1  }
0x6a: {  	v1 =	vld.idx.msk [tilespmem:v2+s2+$0x0], $0xffff  }
0x6b: {  	v2 =	vadd.s32 $0x6100, v0;
	_ =	sdelay $0x3  }
0x6c: {  	[tilespmem:s13+$0xE480] =	vst v1  }
0x6d: {  	v1 =	vld.idx.msk [tilespmem:v2+s2+$0x0], $0xffff  }
0x6e: {  	v2 =	vadd.s32 $0x6180, v0;
	_ =	sdelay $0x3  }
0x6f: {  	[tilespmem:s13+$0xE500] =	vst v1  }
0x70: {  	v1 =	vld.idx.msk [tilespmem:v2+s2+$0x0], $0xffff  }
0x71: {  	v2 =	vadd.s32 $0x6200, v0;
	_ =	sdelay $0x3  }
0x72: {  	[tilespmem:s13+$0xE580] =	vst v1  }
0x73: {  	v1 =	vld.idx.msk [tilespmem:v2+s2+$0x0], $0xffff  }
0x74: {  	v2 =	vadd.s32 $0x6280, v0;
	_ =	sdelay $0x3  }
0x75: {  	[tilespmem:s13+$0xE600] =	vst v1  }
0x76: {  	v1 =	vld.idx.msk [tilespmem:v2+s2+$0x0], $0xffff  }
0x77: {  	v2 =	vadd.s32 $0x6300, v0;
	_ =	sdelay $0x3  }
0x78: {  	[tilespmem:s13+$0xE680] =	vst v1  }
0x79: {  	v1 =	vld.idx.msk [tilespmem:v2+s2+$0x0], $0xffff  }
0x7a: {  	v0 =	vadd.s32 $0x6380, v0;
	_ =	sdelay $0x3  }
0x7b: {  	[tilespmem:s13+$0xE700] =	vst v1  }
0x7c: {  	s15 =	simm.s32 $0x0;
	s14 =	simm.s32 $0x10;
	v0 =	vld.idx.msk [tilespmem:v0+s2+$0x0], $0xffff  }
.LBB2_2:
0x7d: {  	_ =	sdelay $0x3  }
0x7e: {  	p0 =	sne.s32 s14, $0x3F0;
	s15 =	sadd.s32 $0x80, s15;
	s12 =	sadd.s32 $0x10, s12;
	[tilespmem:s13+$0xE780] =	vst v0  }
0x7f: {  	s16 =	smov.u32 s14;
	s14 =	sadd.s32 $0x10, s14;
	v0 =	vld [tilespmem:s12+$0x0];
	_ =	sdelay $0x4  }
0x80: {  	v1 =	vshll.u32 v0, $0x3  }
0x81: {  	v0 =	vand.u32 $0x7F, v0;
	v1 =	vand.u32 $0xFFFFFC00, v1  }
0x82: {  	v0 =	vor.u32 v0, v1;
	_ =	sdelay $0x4  }
0x83: {  	v1 =	vld.idx.msk [tilespmem:v0+s2+$0x0], $0xffff;
	_ =	sdelay $0x1  }
0x84: {  	v2 =	vor.u32 $0x80, v0;
	_ =	sdelay $0x1  }
0x85: {  	s17 =	sand.u32 $0x1C00, s15;
	s13 =	sand.u32 $0x70, s16  }
0x86: {  	s13 =	sor.u32 s13, s17  }
0x87: {  	[tilespmem:s13+$0x8400] =	vst v1  }
0x88: {  	v1 =	vld.idx.msk [tilespmem:v2+s2+$0x0], $0xffff;
	_ =	sdelay $0x1  }
0x89: {  	v2 =	vor.u32 $0x100, v0;
	_ =	sdelay $0x3  }
0x8a: {  	[tilespmem:s13+$0x8480] =	vst v1  }
0x8b: {  	v1 =	vld.idx.msk [tilespmem:v2+s2+$0x0], $0xffff;
	_ =	sdelay $0x1  }
0x8c: {  	v2 =	vor.u32 $0x180, v0;
	_ =	sdelay $0x3  }
0x8d: {  	[tilespmem:s13+$0x8500] =	vst v1  }
0x8e: {  	v1 =	vld.idx.msk [tilespmem:v2+s2+$0x0], $0xffff;
	_ =	sdelay $0x1  }
0x8f: {  	v2 =	vor.u32 $0x200, v0;
	_ =	sdelay $0x3  }
0x90: {  	[tilespmem:s13+$0x8580] =	vst v1  }
0x91: {  	v1 =	vld.idx.msk [tilespmem:v2+s2+$0x0], $0xffff;
	_ =	sdelay $0x1  }
0x92: {  	v2 =	vor.u32 $0x280, v0;
	_ =	sdelay $0x3  }
0x93: {  	[tilespmem:s13+$0x8600] =	vst v1  }
0x94: {  	v1 =	vld.idx.msk [tilespmem:v2+s2+$0x0], $0xffff;
	_ =	sdelay $0x1  }
0x95: {  	v2 =	vor.u32 $0x300, v0;
	_ =	sdelay $0x3  }
0x96: {  	[tilespmem:s13+$0x8680] =	vst v1  }
0x97: {  	v1 =	vld.idx.msk [tilespmem:v2+s2+$0x0], $0xffff;
	_ =	sdelay $0x1  }
0x98: {  	v2 =	vor.u32 $0x380, v0;
	_ =	sdelay $0x3  }
0x99: {  	[tilespmem:s13+$0x8700] =	vst v1  }
0x9a: {  	v1 =	vld.idx.msk [tilespmem:v2+s2+$0x0], $0xffff;
	_ =	sdelay $0x1  }
0x9b: {  	v2 =	vadd.s32 $0x2000, v0;
	_ =	sdelay $0x1  }
0x9c: {  	s16 =	sor.u32 s15, s16  }
0x9d: {  	s16 =	sor.u32 $0x380, s16  }
0x9e: {  	[tilespmem:s16+$0x8400] =	vst v1  }
0x9f: {  	v1 =	vld.idx.msk [tilespmem:v2+s2+$0x0], $0xffff;
	_ =	sdelay $0x1  }
0xa0: {  	v2 =	vadd.s32 $0x2080, v0;
	_ =	sdelay $0x3  }
0xa1: {  	[tilespmem:s13+$0xA400] =	vst v1  }
0xa2: {  	v1 =	vld.idx.msk [tilespmem:v2+s2+$0x0], $0xffff;
	_ =	sdelay $0x1  }
0xa3: {  	v2 =	vadd.s32 $0x2100, v0;
	_ =	sdelay $0x3  }
0xa4: {  	[tilespmem:s13+$0xA480] =	vst v1  }
0xa5: {  	v1 =	vld.idx.msk [tilespmem:v2+s2+$0x0], $0xffff;
	_ =	sdelay $0x1  }
0xa6: {  	v2 =	vadd.s32 $0x2180, v0;
	_ =	sdelay $0x3  }
0xa7: {  	[tilespmem:s13+$0xA500] =	vst v1  }
0xa8: {  	v1 =	vld.idx.msk [tilespmem:v2+s2+$0x0], $0xffff;
	_ =	sdelay $0x1  }
0xa9: {  	v2 =	vadd.s32 $0x2200, v0;
	_ =	sdelay $0x3  }
0xaa: {  	[tilespmem:s13+$0xA580] =	vst v1  }
0xab: {  	v1 =	vld.idx.msk [tilespmem:v2+s2+$0x0], $0xffff;
	_ =	sdelay $0x1  }
0xac: {  	v2 =	vadd.s32 $0x2280, v0;
	_ =	sdelay $0x3  }
0xad: {  	[tilespmem:s13+$0xA600] =	vst v1  }
0xae: {  	v1 =	vld.idx.msk [tilespmem:v2+s2+$0x0], $0xffff;
	_ =	sdelay $0x1  }
0xaf: {  	v2 =	vadd.s32 $0x2300, v0;
	_ =	sdelay $0x3  }
0xb0: {  	[tilespmem:s13+$0xA680] =	vst v1  }
0xb1: {  	v1 =	vld.idx.msk [tilespmem:v2+s2+$0x0], $0xffff;
	_ =	sdelay $0x1  }
0xb2: {  	v2 =	vadd.s32 $0x2380, v0;
	_ =	sdelay $0x3  }
0xb3: {  	[tilespmem:s13+$0xA700] =	vst v1  }
0xb4: {  	v1 =	vld.idx.msk [tilespmem:v2+s2+$0x0], $0xffff;
	_ =	sdelay $0x1  }
0xb5: {  	v2 =	vadd.s32 $0x4000, v0;
	_ =	sdelay $0x3  }
0xb6: {  	[tilespmem:s13+$0xA780] =	vst v1  }
0xb7: {  	v1 =	vld.idx.msk [tilespmem:v2+s2+$0x0], $0xffff;
	_ =	sdelay $0x1  }
0xb8: {  	v2 =	vadd.s32 $0x4080, v0;
	_ =	sdelay $0x3  }
0xb9: {  	[tilespmem:s13+$0xC400] =	vst v1  }
0xba: {  	v1 =	vld.idx.msk [tilespmem:v2+s2+$0x0], $0xffff;
	_ =	sdelay $0x1  }
0xbb: {  	v2 =	vadd.s32 $0x4100, v0;
	_ =	sdelay $0x3  }
0xbc: {  	[tilespmem:s13+$0xC480] =	vst v1  }
0xbd: {  	v1 =	vld.idx.msk [tilespmem:v2+s2+$0x0], $0xffff;
	_ =	sdelay $0x1  }
0xbe: {  	v2 =	vadd.s32 $0x4180, v0;
	_ =	sdelay $0x3  }
0xbf: {  	[tilespmem:s13+$0xC500] =	vst v1  }
0xc0: {  	v1 =	vld.idx.msk [tilespmem:v2+s2+$0x0], $0xffff;
	_ =	sdelay $0x1  }
0xc1: {  	v2 =	vadd.s32 $0x4200, v0;
	_ =	sdelay $0x3  }
0xc2: {  	[tilespmem:s13+$0xC580] =	vst v1  }
0xc3: {  	v1 =	vld.idx.msk [tilespmem:v2+s2+$0x0], $0xffff;
	_ =	sdelay $0x1  }
0xc4: {  	v2 =	vadd.s32 $0x4280, v0;
	_ =	sdelay $0x3  }
0xc5: {  	[tilespmem:s13+$0xC600] =	vst v1  }
0xc6: {  	v1 =	vld.idx.msk [tilespmem:v2+s2+$0x0], $0xffff;
	_ =	sdelay $0x1  }
0xc7: {  	v2 =	vadd.s32 $0x4300, v0;
	_ =	sdelay $0x3  }
0xc8: {  	[tilespmem:s13+$0xC680] =	vst v1  }
0xc9: {  	v1 =	vld.idx.msk [tilespmem:v2+s2+$0x0], $0xffff;
	_ =	sdelay $0x1  }
0xca: {  	v2 =	vadd.s32 $0x4380, v0;
	_ =	sdelay $0x3  }
0xcb: {  	[tilespmem:s13+$0xC700] =	vst v1  }
0xcc: {  	v1 =	vld.idx.msk [tilespmem:v2+s2+$0x0], $0xffff;
	_ =	sdelay $0x1  }
0xcd: {  	v2 =	vadd.s32 $0x6000, v0;
	_ =	sdelay $0x3  }
0xce: {  	[tilespmem:s13+$0xC780] =	vst v1  }
0xcf: {  	v1 =	vld.idx.msk [tilespmem:v2+s2+$0x0], $0xffff;
	_ =	sdelay $0x1  }
0xd0: {  	v2 =	vadd.s32 $0x6080, v0;
	_ =	sdelay $0x3  }
0xd1: {  	[tilespmem:s13+$0xE400] =	vst v1  }
0xd2: {  	v1 =	vld.idx.msk [tilespmem:v2+s2+$0x0], $0xffff;
	_ =	sdelay $0x1  }
0xd3: {  	v2 =	vadd.s32 $0x6100, v0;
	_ =	sdelay $0x3  }
0xd4: {  	[tilespmem:s13+$0xE480] =	vst v1  }
0xd5: {  	v1 =	vld.idx.msk [tilespmem:v2+s2+$0x0], $0xffff;
	_ =	sdelay $0x1  }
0xd6: {  	v2 =	vadd.s32 $0x6180, v0;
	_ =	sdelay $0x3  }
0xd7: {  	[tilespmem:s13+$0xE500] =	vst v1  }
0xd8: {  	v1 =	vld.idx.msk [tilespmem:v2+s2+$0x0], $0xffff;
	_ =	sdelay $0x1  }
0xd9: {  	v2 =	vadd.s32 $0x6200, v0;
	_ =	sdelay $0x3  }
0xda: {  	[tilespmem:s13+$0xE580] =	vst v1  }
0xdb: {  	v1 =	vld.idx.msk [tilespmem:v2+s2+$0x0], $0xffff;
	_ =	sdelay $0x1  }
0xdc: {  	v2 =	vadd.s32 $0x6280, v0;
	_ =	sdelay $0x3  }
0xdd: {  	[tilespmem:s13+$0xE600] =	vst v1  }
0xde: {  	v1 =	vld.idx.msk [tilespmem:v2+s2+$0x0], $0xffff;
	_ =	sdelay $0x1  }
0xdf: {  	v2 =	vadd.s32 $0x6300, v0;
	_ =	sdelay $0x3  }
0xe0: {  	[tilespmem:s13+$0xE680] =	vst v1  }
0xe1: {  	v1 =	vld.idx.msk [tilespmem:v2+s2+$0x0], $0xffff;
	_ =	sdelay $0x1  }
0xe2: {  	v0 =	vadd.s32 $0x6380, v0  }
.Ltmp0:
0xe3: {  	(pc) =	sbr.rel @p0 .LBB2_2-.Ltmp0, $3  }
0xe4: {  	_ =	sdelay $0x1  }
0xe5: {  	[tilespmem:s13+$0xE700] =	vst v1  }
0xe6: {  	v0 =	vld.idx.msk [tilespmem:v0+s2+$0x0], $0xffff  }
0xe7: {  	_ =	sdelay $0x1  }
0xe8: {  	s11 =	sadd.s32 $0x1, s11  }
0xe9: {  	p0 =	sne.s32 s11, s7  }
.Ltmp1:
0xea: {  	[tilespmem:s13+$0xE780] =	vst v0;
	(pc) =	sbr.rel @p0 .LBB2_1-.Ltmp1, $4  }
0xeb: {  	[hbm4b:s6+s2] =	stream.linear.scatter [tilespmem:s10], [sflag:$0x1], $0x8000, $0x38;
	[tilespmem:$0x10400] =	vst v63  }
0xec: {  	_ =	swait.ge [sflag:s3], $0x8000  }
0xed: {  	[sflag:s3] =	ssyncset.done $0x0  }
0xee: {  	[sflag:s3] =	ssyncadd.s32 $0xFFFF8000  }
0xef: {  	_ =	sfence.sel $0x180000  }
0xf0: {  	[bflag:$0x0] =	sbarrier.arrive $0xFFFF  }
0xf1: {  	p0 =	sne.s32 s0, $0x0;
	_ =	strace $0x90000047  }
0xf2: {  	s0 =	sadd.s32 @!p0 $0x100000, s1;
	[bflag:$0x2] =	sbarrier.arrive $0xFFFF  }
0xf3: {  	[sflag:s0] =	ssyncadd.tile.s32 @!p0 $0x1;
	_ =	shalt  }
.Lfunc_end2:
_tile_overlayer_lowered:
.L_overlay_start_2:
0xf4: {  	(tag) =	ssettag $0x2  }
0xf5: {  	s0 =	rddreg [dreg:$0x0];
	s2 =	stileid.u32  }
0xf6: {  	s1 =	rddreg [dreg:$0x1];
	p0 =	sne.s32 s2, $0x0  }
0xf7: {  	s3 =	rddreg [dreg:$0x2];
	[bflag:$0x3] =	sbarrier.arrive $0xFFFF;
	s2 =	simm.s32 @!p0 $0x1C01  }
0xf8: {  	[timem:s3], [sflag:s2] =	dma.local @!p0 [hbm:s0], s1  }
0xf9: {  	s0 =	simm.s32 @!p0 $0x1  }
0xfa: {  	_ =	swait.ge @!p0 [sflag:s0], s1  }
0xfb: {  	s1 =	ssub.s32 @!p0 $0x0, s1;
	[sflag:s0] =	ssyncset.done @!p0 $0x0  }
0xfc: {  	[sflag:s0] =	ssyncadd.s32 @!p0 s1  }
0xfd: {  	[bflag:$0x3] =	sbarrier.arrive $0xFFFF  }
0xfe: {  	_ =	shalt  }

</sc_bundles>
